<compile_context>
chip_gen: v7x
topology: tpu7x:2x2x1
jax: 0.10.2.dev20260603
libtpu: 0.0.44.dev20260713+nightly
codegen_flags: <defaults>
</compile_context>

<pallas_src>
import functools

import jax
import jax.numpy as jnp
from jax import lax
from jax.experimental import pallas as pl
from jax.experimental.pallas import tpu as pltpu
from jax.experimental.pallas import tpu_sc as plsc

_N = 8192
_R = 256
_G = _N // _R
_D0, _D1, _D2 = 256, 128, 64

_NC, _NS = 2, 16
_NW = _NC * _NS
_BW = _N // _NW
_CH = 128


def _gather_body(E0, E1, E2, i0, i1, i2, q0, q1, q2,
                 i0v, i1v, i2v, r0, r1, r2, s0, s1, s2):
    wid = lax.axis_index("s") * _NC + lax.axis_index("c")
    base = wid * _BW
    nrow = _BW // _CH
    pltpu.sync_copy(i0.at[pl.ds(wid * nrow, nrow)], i0v)
    pltpu.sync_copy(i1.at[pl.ds(wid * nrow, nrow)], i1v)
    pltpu.sync_copy(i2.at[pl.ds(wid * nrow, nrow)], i2v)
    c00 = pltpu.async_copy(E0.at[i0v.at[0]], r0, s0)
    c1 = [pltpu.async_copy(E1.at[i1v.at[k]],
                           r1.at[pl.ds(k * _CH, _CH)], s1)
          for k in range(nrow)]
    c2 = [pltpu.async_copy(E2.at[i2v.at[k]],
                           r2.at[pl.ds(k * _CH, _CH)], s2)
          for k in range(nrow)]
    c00.wait()
    pltpu.sync_copy(r0, q0.at[pl.ds(base, _CH)])
    c01 = pltpu.async_copy(E0.at[i0v.at[1]], r0, s0)
    for c in c1:
        c.wait()
    pltpu.sync_copy(r1, q1.at[pl.ds(base, _BW)])
    for c in c2:
        c.wait()
    pltpu.sync_copy(r2, q2.at[pl.ds(base, _BW)])
    c01.wait()
    pltpu.sync_copy(r0, q0.at[pl.ds(base + _CH, _CH)])


def _sc_gather_fn():
    return functools.partial(
        pl.kernel,
        mesh=plsc.VectorSubcoreMesh(core_axis_name="c", subcore_axis_name="s"),
        out_type=[
            jax.ShapeDtypeStruct((_N, _D0), jnp.float32),
            jax.ShapeDtypeStruct((_N, _D1), jnp.float32),
            jax.ShapeDtypeStruct((_N, 128), jnp.float32),
        ],
        scratch_types=[
            pltpu.VMEM((_BW // _CH, _CH), jnp.int32),
            pltpu.VMEM((_BW // _CH, _CH), jnp.int32),
            pltpu.VMEM((_BW // _CH, _CH), jnp.int32),
            pltpu.VMEM((_CH, _D0), jnp.float32),
            pltpu.VMEM((_BW, _D1), jnp.float32),
            pltpu.VMEM((_BW, 128), jnp.float32),
            pltpu.SemaphoreType.DMA,
            pltpu.SemaphoreType.DMA,
            pltpu.SemaphoreType.DMA,
        ],
    )(_gather_body)


def _dec_body(q0, q1, q2, anchor, Wd0, bd0, Wd1, bd1, Wd2, bd2, recon_ref):
    bf = lambda a: a.astype(jnp.bfloat16).astype(jnp.float32)
    comb = bf(jnp.concatenate([q0[...], q1[...], q2[...]], axis=1))
    d = jnp.maximum(jnp.dot(comb, Wd0[...]) + bd0[...], 0.0)
    d = bf(jnp.maximum(jnp.dot(d, Wd1[...]) + bd1[...], 0.0))
    recon_ref[...] = jnp.dot(d, Wd2[...]) + bd2[...]


def _full(shape):
    return pl.BlockSpec(shape, lambda i: (0,) * len(shape))


def _rows(shape):
    return pl.BlockSpec(shape, lambda i: (i,) + (0,) * (len(shape) - 1))


def _decode(q0, q1, q2, anchor, Wd0, bd0, Wd1, bd1, Wd2, bd2):
    in_specs = [_rows((_R, _D0)), _rows((_R, _D1)), _rows((_R, _D2)),
                _rows((_R, 448))]
    ws = [Wd0, bd0, Wd1, bd1, Wd2, bd2]
    in_specs += [_full(w.shape) for w in ws]
    return pl.pallas_call(
        _dec_body,
        grid=(_G,),
        in_specs=in_specs,
        out_specs=_rows((_R, 768)),
        out_shape=jax.ShapeDtypeStruct((_N, 768), jnp.float32),
    )(q0, q1, q2, anchor, *ws)


def kernel(x, We0, be0, We1, be1, Wh0, bh0, Wh1, bh1, Wh2, bh2,
           Wp0a, bp0a, Wp0b, bp0b, Wp1a, bp1a, Wp1b, bp1b,
           Wp2a, bp2a, Wp2b, bp2b, E0, E1, E2, Wd0, bd0, Wd1, bd1, Wd2, bd2):
    h = jax.nn.relu(x @ We0 + be0)
    h = jax.nn.relu(h @ We1 + be1)
    feats = [h @ Wh0 + bh0, h @ Wh1 + bh1, h @ Wh2 + bh2]
    projs = [(Wp0a, bp0a, Wp0b, bp0b), (Wp1a, bp1a, Wp1b, bp1b),
             (Wp2a, bp2a, Wp2b, bp2b)]
    Es = [E0, E1, E2]
    total_loss = 0.0
    quantized = []
    indices = []
    for f, (Wa, ba, Wb, bb), E in zip(feats, projs, Es):
        p = jax.nn.relu(f @ Wa + ba) @ Wb + bb
        d = (jnp.sum(p * p, axis=1, keepdims=True) + jnp.sum(E * E, axis=1)
             - 2.0 * (p @ E.T))
        idx = jnp.argmin(d, axis=1)
        q = jnp.take(E, idx, axis=0)
        e_loss = jnp.mean((jax.lax.stop_gradient(q) - p) ** 2)
        q_loss = jnp.mean((q - jax.lax.stop_gradient(p)) ** 2)
        total_loss = total_loss + q_loss + 0.25 * e_loss
        q_st = p + jax.lax.stop_gradient(q - p)
        quantized.append(q_st)
        indices.append(idx)
    anchor = jnp.concatenate(quantized, axis=-1)

    i0, i1, i2 = indices
    bE0, bE1, bE2, bi0, bi1, bi2, anchor = lax.optimization_barrier(
        (E0, E1, E2, i0, i1, i2, anchor))
    E2p = jnp.pad(bE2, ((0, 0), (0, 128 - _D2)))
    q0, q1, q2p = _sc_gather_fn()(
        bE0, bE1, E2p,
        bi0.reshape(_N // _CH, _CH), bi1.reshape(_N // _CH, _CH),
        bi2.reshape(_N // _CH, _CH))
    r2c = lambda b: b.reshape(1, -1)
    recon = _decode(q0, q1, q2p[:, :_D2], anchor,
                    Wd0, r2c(bd0), Wd1, r2c(bd1), Wd2, r2c(bd2))
    return recon, total_loss, i0, i1, i2

# --- scband reference (transcript-rebuilt; emitter-appended) ---
"""Pipeline reference for scband-hqvae-13262859010640 (READ-ONLY COPY).

The authoritative reference and input builder live on the scoring server;
editing this copy changes nothing except your own understanding.
"""

import jax, jax.numpy as jnp
import numpy as np

def setup_inputs(seed: int = 0):
    key = jax.random.key(seed)
    ks = jax.random.split(key, 40)
    def lin(k, i, o):
        return jax.random.normal(k, (i, o), dtype=jnp.float32) * 0.02
    inp = {}
    inp["x"] = jax.random.normal(ks[0], (8192, 768), dtype=jnp.float32)
    inp["We0"] = lin(ks[1], 768, 1024); inp["be0"] = jnp.zeros((1024,), jnp.float32)
    inp["We1"] = lin(ks[2], 1024, 512); inp["be1"] = jnp.zeros((512,), jnp.float32)
    inp["Wh0"] = lin(ks[3], 512, 256); inp["bh0"] = jnp.zeros((256,), jnp.float32)
    inp["Wh1"] = lin(ks[4], 512, 128); inp["bh1"] = jnp.zeros((128,), jnp.float32)
    inp["Wh2"] = lin(ks[5], 512, 64); inp["bh2"] = jnp.zeros((64,), jnp.float32)
    inp["Wp0a"] = lin(ks[6], 256, 128); inp["bp0a"] = jnp.zeros((128,), jnp.float32)
    inp["Wp0b"] = lin(ks[7], 128, 256); inp["bp0b"] = jnp.zeros((256,), jnp.float32)
    inp["Wp1a"] = lin(ks[8], 128, 64); inp["bp1a"] = jnp.zeros((64,), jnp.float32)
    inp["Wp1b"] = lin(ks[9], 64, 128); inp["bp1b"] = jnp.zeros((128,), jnp.float32)
    inp["Wp2a"] = lin(ks[10], 64, 32); inp["bp2a"] = jnp.zeros((32,), jnp.float32)
    inp["Wp2b"] = lin(ks[11], 32, 64); inp["bp2b"] = jnp.zeros((64,), jnp.float32)
    inp["E0"] = jax.random.uniform(ks[12], (8192, 256), dtype=jnp.float32, minval=-1.0/8192, maxval=1.0/8192)
    inp["E1"] = jax.random.uniform(ks[13], (1024, 128), dtype=jnp.float32, minval=-1.0/1024, maxval=1.0/1024)
    inp["E2"] = jax.random.uniform(ks[14], (512, 64), dtype=jnp.float32, minval=-1.0/512, maxval=1.0/512)
    inp["Wd0"] = lin(ks[15], 448, 512); inp["bd0"] = jnp.zeros((512,), jnp.float32)
    inp["Wd1"] = lin(ks[16], 512, 1024); inp["bd1"] = jnp.zeros((1024,), jnp.float32)
    inp["Wd2"] = lin(ks[17], 1024, 768); inp["bd2"] = jnp.zeros((768,), jnp.float32)
    return inp

def _vq(p, E, commitment_cost=0.25):
    d = jnp.sum(p * p, axis=1, keepdims=True) + jnp.sum(E * E, axis=1) - 2.0 * (p @ E.T)
    idx = jnp.argmin(d, axis=1)
    q = jnp.take(E, idx, axis=0)
    e_loss = jnp.mean((jax.lax.stop_gradient(q) - p) ** 2)
    q_loss = jnp.mean((q - jax.lax.stop_gradient(p)) ** 2)
    vq_loss = q_loss + commitment_cost * e_loss
    q_st = p + jax.lax.stop_gradient(q - p)
    return q_st, vq_loss, idx

def reference(x, We0, be0, We1, be1, Wh0, bh0, Wh1, bh1, Wh2, bh2, Wp0a, bp0a, Wp0b, bp0b, Wp1a, bp1a, Wp1b, bp1b, Wp2a, bp2a, Wp2b, bp2b, E0, E1, E2, Wd0, bd0, Wd1, bd1, Wd2, bd2):
    h = jax.nn.relu(x @ We0 + be0)
    h = jax.nn.relu(h @ We1 + be1)
    feats = [h @ Wh0 + bh0, h @ Wh1 + bh1, h @ Wh2 + bh2]
    projs = [(Wp0a, bp0a, Wp0b, bp0b), (Wp1a, bp1a, Wp1b, bp1b), (Wp2a, bp2a, Wp2b, bp2b)]
    Es = [E0, E1, E2]
    total_loss = 0.0
    quantized = []
    indices = []
    for f, (Wa, ba, Wb, bb), E in zip(feats, projs, Es):
        p = jax.nn.relu(f @ Wa + ba) @ Wb + bb
        q_st, vq_loss, idx = _vq(p, E)
        quantized.append(q_st)
        indices.append(idx)
        total_loss = total_loss + vq_loss
    comb = jnp.concatenate(quantized, axis=-1)
    d = jax.nn.relu(comb @ Wd0 + bd0)
    d = jax.nn.relu(d @ Wd1 + bd1)
    recon = d @ Wd2 + bd2
    return recon, total_loss, indices[0], indices[1], indices[2]

if __name__ == "__main__":
    import jax
    _d = setup_inputs()
    print(jax.jit(kernel)(*tuple(_d.values())))

</pallas_src>

<mosaic_0001>
#map = affine_map<(d0, d1) -> (0, 0)>
module attributes {stable_mosaic.version = 14 : i64} {
  func.func @_gather_body(%arg0: i32, %arg1: i32, %arg2: memref<8192x256xf32, #tpu.memory_space<hbm>>, %arg3: memref<1024x128xf32, #tpu.memory_space<hbm>>, %arg4: memref<512x128xf32, #tpu.memory_space<hbm>>, %arg5: memref<64x128xi32, #tpu.memory_space<hbm>>, %arg6: memref<64x128xi32, #tpu.memory_space<hbm>>, %arg7: memref<64x128xi32, #tpu.memory_space<hbm>>, %arg8: memref<8192x256xf32, #tpu.memory_space<hbm>>, %arg9: memref<8192x128xf32, #tpu.memory_space<hbm>>, %arg10: memref<8192x128xf32, #tpu.memory_space<hbm>>, %arg11: memref<2x128xi32, #tpu.memory_space<vmem>>, %arg12: memref<2x128xi32, #tpu.memory_space<vmem>>, %arg13: memref<2x128xi32, #tpu.memory_space<vmem>>, %arg14: memref<128x256xf32, #tpu.memory_space<vmem>>, %arg15: memref<256x128xf32, #tpu.memory_space<vmem>>, %arg16: memref<256x128xf32, #tpu.memory_space<vmem>>, %arg17: memref<!tpu.dma_semaphore, #tpu.memory_space<semaphore_mem>>, %arg18: memref<!tpu.dma_semaphore, #tpu.memory_space<semaphore_mem>>, %arg19: memref<!tpu.dma_semaphore, #tpu.memory_space<semaphore_mem>>) attributes {dimension_semantics = [#tpu.dimension_semantics<core_parallel>, #tpu.dimension_semantics<subcore_parallel>], iteration_bounds = array<i64: 2, 16>, scalar_prefetch = 0 : i64, scratch_operands = 9 : i64, tpu.core_type = #tpu.core_type<sc_vector_subcore>, window_params = [{transform_indices = #map}, {transform_indices = #map}, {transform_indices = #map}, {transform_indices = #map}, {transform_indices = #map}, {transform_indices = #map}, {transform_indices = #map}, {transform_indices = #map}, {transform_indices = #map}]} {
    %mul3A = arith.constant 2 : i32
    %mul3A_0 = arith.muli %arg1, %mul3A : i32
    %add3A = arith.addi %mul3A_0, %arg0 : i32
    %mul3A_1 = arith.constant 256 : i32
    %mul3A_2 = arith.muli %add3A, %mul3A_1 : i32
    %mul3A_3 = arith.constant 2 : i32
    %mul3A_4 = arith.muli %add3A, %mul3A_3 : i32
    "tpu.region"() ({
      %run_scoped3A = tpu.sem_alloc : memref<!tpu.dma_semaphore, #tpu.memory_space<semaphore_mem>>
      %dma_start3A_117 = arith.constant 0 : i32
      %dma_start3A_118 = tpu.memref_slice %arg5[%mul3A_4, %dma_start3A_117] : memref<64x128xi32, #tpu.memory_space<hbm>> -> memref<2x128xi32, #tpu.memory_space<hbm>>
      %dma_start3A_119 = arith.constant 0 : i32
      %dma_start3A_120 = tpu.memref_slice %arg5[%mul3A_4, %dma_start3A_119] : memref<64x128xi32, #tpu.memory_space<hbm>> -> memref<2x128xi32, #tpu.memory_space<hbm>>
      tpu.enqueue_dma source(%dma_start3A_120 : memref<2x128xi32, #tpu.memory_space<hbm>>) target(%arg11 : memref<2x128xi32, #tpu.memory_space<vmem>>) target_semaphore(%run_scoped3A : memref<!tpu.dma_semaphore, #tpu.memory_space<semaphore_mem>>)
      %dma_wait3A_121 = arith.constant 0 : i32
      %dma_wait3A_122 = tpu.memref_slice %arg5[%mul3A_4, %dma_wait3A_121] : memref<64x128xi32, #tpu.memory_space<hbm>> -> memref<2x128xi32, #tpu.memory_space<hbm>>
      %dma_wait3A_123 = arith.constant 0 : i32
      %dma_wait3A_124 = tpu.memref_slice %arg5[%mul3A_4, %dma_wait3A_123] : memref<64x128xi32, #tpu.memory_space<hbm>> -> memref<2x128xi32, #tpu.memory_space<hbm>>
      tpu.wait_dma2 semaphore(%run_scoped3A : memref<!tpu.dma_semaphore, #tpu.memory_space<semaphore_mem>>) src(%dma_wait3A_124 : memref<2x128xi32, #tpu.memory_space<hbm>>) dst(%arg11 : memref<2x128xi32, #tpu.memory_space<vmem>>)
      tpu.yield
    }) : () -> ()
    %mul3A_5 = arith.constant 2 : i32
    %mul3A_6 = arith.muli %add3A, %mul3A_5 : i32
    "tpu.region"() ({
      %run_scoped3A = tpu.sem_alloc : memref<!tpu.dma_semaphore, #tpu.memory_space<semaphore_mem>>
      %dma_start3A_117 = arith.constant 0 : i32
      %dma_start3A_118 = tpu.memref_slice %arg6[%mul3A_6, %dma_start3A_117] : memref<64x128xi32, #tpu.memory_space<hbm>> -> memref<2x128xi32, #tpu.memory_space<hbm>>
      %dma_start3A_119 = arith.constant 0 : i32
      %dma_start3A_120 = tpu.memref_slice %arg6[%mul3A_6, %dma_start3A_119] : memref<64x128xi32, #tpu.memory_space<hbm>> -> memref<2x128xi32, #tpu.memory_space<hbm>>
      tpu.enqueue_dma source(%dma_start3A_120 : memref<2x128xi32, #tpu.memory_space<hbm>>) target(%arg12 : memref<2x128xi32, #tpu.memory_space<vmem>>) target_semaphore(%run_scoped3A : memref<!tpu.dma_semaphore, #tpu.memory_space<semaphore_mem>>)
      %dma_wait3A_121 = arith.constant 0 : i32
      %dma_wait3A_122 = tpu.memref_slice %arg6[%mul3A_6, %dma_wait3A_121] : memref<64x128xi32, #tpu.memory_space<hbm>> -> memref<2x128xi32, #tpu.memory_space<hbm>>
      %dma_wait3A_123 = arith.constant 0 : i32
      %dma_wait3A_124 = tpu.memref_slice %arg6[%mul3A_6, %dma_wait3A_123] : memref<64x128xi32, #tpu.memory_space<hbm>> -> memref<2x128xi32, #tpu.memory_space<hbm>>
      tpu.wait_dma2 semaphore(%run_scoped3A : memref<!tpu.dma_semaphore, #tpu.memory_space<semaphore_mem>>) src(%dma_wait3A_124 : memref<2x128xi32, #tpu.memory_space<hbm>>) dst(%arg12 : memref<2x128xi32, #tpu.memory_space<vmem>>)
      tpu.yield
    }) : () -> ()
    %mul3A_7 = arith.constant 2 : i32
    %mul3A_8 = arith.muli %add3A, %mul3A_7 : i32
    "tpu.region"() ({
      %run_scoped3A = tpu.sem_alloc : memref<!tpu.dma_semaphore, #tpu.memory_space<semaphore_mem>>
      %dma_start3A_117 = arith.constant 0 : i32
      %dma_start3A_118 = tpu.memref_slice %arg7[%mul3A_8, %dma_start3A_117] : memref<64x128xi32, #tpu.memory_space<hbm>> -> memref<2x128xi32, #tpu.memory_space<hbm>>
      %dma_start3A_119 = arith.constant 0 : i32
      %dma_start3A_120 = tpu.memref_slice %arg7[%mul3A_8, %dma_start3A_119] : memref<64x128xi32, #tpu.memory_space<hbm>> -> memref<2x128xi32, #tpu.memory_space<hbm>>
      tpu.enqueue_dma source(%dma_start3A_120 : memref<2x128xi32, #tpu.memory_space<hbm>>) target(%arg13 : memref<2x128xi32, #tpu.memory_space<vmem>>) target_semaphore(%run_scoped3A : memref<!tpu.dma_semaphore, #tpu.memory_space<semaphore_mem>>)
      %dma_wait3A_121 = arith.constant 0 : i32
      %dma_wait3A_122 = tpu.memref_slice %arg7[%mul3A_8, %dma_wait3A_121] : memref<64x128xi32, #tpu.memory_space<hbm>> -> memref<2x128xi32, #tpu.memory_space<hbm>>
      %dma_wait3A_123 = arith.constant 0 : i32
      %dma_wait3A_124 = tpu.memref_slice %arg7[%mul3A_8, %dma_wait3A_123] : memref<64x128xi32, #tpu.memory_space<hbm>> -> memref<2x128xi32, #tpu.memory_space<hbm>>
      tpu.wait_dma2 semaphore(%run_scoped3A : memref<!tpu.dma_semaphore, #tpu.memory_space<semaphore_mem>>) src(%dma_wait3A_124 : memref<2x128xi32, #tpu.memory_space<hbm>>) dst(%arg13 : memref<2x128xi32, #tpu.memory_space<vmem>>)
      tpu.yield
    }) : () -> ()
    %dma_start3A = arith.constant 0 : i32
    %dma_start3A_9 = arith.constant 0 : i32
    %dma_start3A_10 = tpu.memref_slice %arg11[%dma_start3A, %dma_start3A_9] : memref<2x128xi32, #tpu.memory_space<vmem>> -> memref<1x128xi32, #tpu.memory_space<vmem>>
    %dma_start3A_11 = tpu.memref_squeeze %dma_start3A_10 : memref<1x128xi32, #tpu.memory_space<vmem>> -> memref<128xi32, #tpu.memory_space<vmem>>
    %dma_start3A_12 = arith.constant 0 : i32
    %dma_start3A_13 = arith.constant 0 : i32
    %dma_start3A_14 = tpu.memref_slice %arg2[%dma_start3A_12, %dma_start3A_13] : memref<8192x256xf32, #tpu.memory_space<hbm>> -> memref<8192x256xf32, #tpu.memory_space<hbm>>
    tpu.enqueue_indirect_dma source(%dma_start3A_14 : memref<8192x256xf32, #tpu.memory_space<hbm>>) target(%arg14 : memref<128x256xf32, #tpu.memory_space<vmem>>) offsets(%dma_start3A_11 : memref<128xi32, #tpu.memory_space<vmem>>) semaphore(%arg17 : memref<!tpu.dma_semaphore, #tpu.memory_space<semaphore_mem>>)
    %dma_start3A_15 = arith.constant 0 : i32
    %dma_start3A_16 = arith.constant 0 : i32
    %dma_start3A_17 = arith.constant 0 : i32
    %dma_start3A_18 = tpu.memref_slice %arg15[%dma_start3A_16, %dma_start3A_17] : memref<256x128xf32, #tpu.memory_space<vmem>> -> memref<128x128xf32, #tpu.memory_space<vmem>>
    %dma_start3A_19 = arith.constant 0 : i32
    %dma_start3A_20 = tpu.memref_slice %arg12[%dma_start3A_15, %dma_start3A_19] : memref<2x128xi32, #tpu.memory_space<vmem>> -> memref<1x128xi32, #tpu.memory_space<vmem>>
    %dma_start3A_21 = tpu.memref_squeeze %dma_start3A_20 : memref<1x128xi32, #tpu.memory_space<vmem>> -> memref<128xi32, #tpu.memory_space<vmem>>
    %dma_start3A_22 = arith.constant 0 : i32
    %dma_start3A_23 = arith.constant 0 : i32
    %dma_start3A_24 = tpu.memref_slice %arg3[%dma_start3A_22, %dma_start3A_23] : memref<1024x128xf32, #tpu.memory_space<hbm>> -> memref<1024x128xf32, #tpu.memory_space<hbm>>
    tpu.enqueue_indirect_dma source(%dma_start3A_24 : memref<1024x128xf32, #tpu.memory_space<hbm>>) target(%dma_start3A_18 : memref<128x128xf32, #tpu.memory_space<vmem>>) offsets(%dma_start3A_21 : memref<128xi32, #tpu.memory_space<vmem>>) semaphore(%arg18 : memref<!tpu.dma_semaphore, #tpu.memory_space<semaphore_mem>>)
    %dma_start3A_25 = arith.constant 1 : i32
    %dma_start3A_26 = arith.constant 128 : i32
    %dma_start3A_27 = arith.constant 0 : i32
    %dma_start3A_28 = tpu.memref_slice %arg15[%dma_start3A_26, %dma_start3A_27] : memref<256x128xf32, #tpu.memory_space<vmem>> -> memref<128x128xf32, #tpu.memory_space<vmem>>
    %dma_start3A_29 = arith.constant 0 : i32
    %dma_start3A_30 = tpu.memref_slice %arg12[%dma_start3A_25, %dma_start3A_29] : memref<2x128xi32, #tpu.memory_space<vmem>> -> memref<1x128xi32, #tpu.memory_space<vmem>>
    %dma_start3A_31 = tpu.memref_squeeze %dma_start3A_30 : memref<1x128xi32, #tpu.memory_space<vmem>> -> memref<128xi32, #tpu.memory_space<vmem>>
    %dma_start3A_32 = arith.constant 0 : i32
    %dma_start3A_33 = arith.constant 0 : i32
    %dma_start3A_34 = tpu.memref_slice %arg3[%dma_start3A_32, %dma_start3A_33] : memref<1024x128xf32, #tpu.memory_space<hbm>> -> memref<1024x128xf32, #tpu.memory_space<hbm>>
    tpu.enqueue_indirect_dma source(%dma_start3A_34 : memref<1024x128xf32, #tpu.memory_space<hbm>>) target(%dma_start3A_28 : memref<128x128xf32, #tpu.memory_space<vmem>>) offsets(%dma_start3A_31 : memref<128xi32, #tpu.memory_space<vmem>>) semaphore(%arg18 : memref<!tpu.dma_semaphore, #tpu.memory_space<semaphore_mem>>)
    %dma_start3A_35 = arith.constant 0 : i32
    %dma_start3A_36 = arith.constant 0 : i32
    %dma_start3A_37 = arith.constant 0 : i32
    %dma_start3A_38 = tpu.memref_slice %arg16[%dma_start3A_36, %dma_start3A_37] : memref<256x128xf32, #tpu.memory_space<vmem>> -> memref<128x128xf32, #tpu.memory_space<vmem>>
    %dma_start3A_39 = arith.constant 0 : i32
    %dma_start3A_40 = tpu.memref_slice %arg13[%dma_start3A_35, %dma_start3A_39] : memref<2x128xi32, #tpu.memory_space<vmem>> -> memref<1x128xi32, #tpu.memory_space<vmem>>
    %dma_start3A_41 = tpu.memref_squeeze %dma_start3A_40 : memref<1x128xi32, #tpu.memory_space<vmem>> -> memref<128xi32, #tpu.memory_space<vmem>>
    %dma_start3A_42 = arith.constant 0 : i32
    %dma_start3A_43 = arith.constant 0 : i32
    %dma_start3A_44 = tpu.memref_slice %arg4[%dma_start3A_42, %dma_start3A_43] : memref<512x128xf32, #tpu.memory_space<hbm>> -> memref<512x128xf32, #tpu.memory_space<hbm>>
    tpu.enqueue_indirect_dma source(%dma_start3A_44 : memref<512x128xf32, #tpu.memory_space<hbm>>) target(%dma_start3A_38 : memref<128x128xf32, #tpu.memory_space<vmem>>) offsets(%dma_start3A_41 : memref<128xi32, #tpu.memory_space<vmem>>) semaphore(%arg19 : memref<!tpu.dma_semaphore, #tpu.memory_space<semaphore_mem>>)
    %dma_start3A_45 = arith.constant 1 : i32
    %dma_start3A_46 = arith.constant 128 : i32
    %dma_start3A_47 = arith.constant 0 : i32
    %dma_start3A_48 = tpu.memref_slice %arg16[%dma_start3A_46, %dma_start3A_47] : memref<256x128xf32, #tpu.memory_space<vmem>> -> memref<128x128xf32, #tpu.memory_space<vmem>>
    %dma_start3A_49 = arith.constant 0 : i32
    %dma_start3A_50 = tpu.memref_slice %arg13[%dma_start3A_45, %dma_start3A_49] : memref<2x128xi32, #tpu.memory_space<vmem>> -> memref<1x128xi32, #tpu.memory_space<vmem>>
    %dma_start3A_51 = tpu.memref_squeeze %dma_start3A_50 : memref<1x128xi32, #tpu.memory_space<vmem>> -> memref<128xi32, #tpu.memory_space<vmem>>
    %dma_start3A_52 = arith.constant 0 : i32
    %dma_start3A_53 = arith.constant 0 : i32
    %dma_start3A_54 = tpu.memref_slice %arg4[%dma_start3A_52, %dma_start3A_53] : memref<512x128xf32, #tpu.memory_space<hbm>> -> memref<512x128xf32, #tpu.memory_space<hbm>>
    tpu.enqueue_indirect_dma source(%dma_start3A_54 : memref<512x128xf32, #tpu.memory_space<hbm>>) target(%dma_start3A_48 : memref<128x128xf32, #tpu.memory_space<vmem>>) offsets(%dma_start3A_51 : memref<128xi32, #tpu.memory_space<vmem>>) semaphore(%arg19 : memref<!tpu.dma_semaphore, #tpu.memory_space<semaphore_mem>>)
    %dma_wait3A = arith.constant 0 : i32
    %dma_wait3A_55 = arith.constant 0 : i32
    %dma_wait3A_56 = tpu.memref_slice %arg11[%dma_wait3A, %dma_wait3A_55] : memref<2x128xi32, #tpu.memory_space<vmem>> -> memref<1x128xi32, #tpu.memory_space<vmem>>
    %dma_wait3A_57 = tpu.memref_squeeze %dma_wait3A_56 : memref<1x128xi32, #tpu.memory_space<vmem>> -> memref<128xi32, #tpu.memory_space<vmem>>
    %dma_wait3A_58 = arith.constant 0 : i32
    %dma_wait3A_59 = arith.constant 0 : i32
    %dma_wait3A_60 = tpu.memref_slice %arg2[%dma_wait3A_58, %dma_wait3A_59] : memref<8192x256xf32, #tpu.memory_space<hbm>> -> memref<8192x256xf32, #tpu.memory_space<hbm>>
    tpu.wait_indirect_dma semaphore(%arg17 : memref<!tpu.dma_semaphore, #tpu.memory_space<semaphore_mem>>) src(%dma_wait3A_60 : memref<8192x256xf32, #tpu.memory_space<hbm>>) dst(%arg14 : memref<128x256xf32, #tpu.memory_space<vmem>>)
    "tpu.region"() ({
      %run_scoped3A = tpu.sem_alloc : memref<!tpu.dma_semaphore, #tpu.memory_space<semaphore_mem>>
      %dma_start3A_117 = arith.constant 0 : i32
      %dma_start3A_118 = tpu.memref_slice %arg8[%mul3A_2, %dma_start3A_117] : memref<8192x256xf32, #tpu.memory_space<hbm>> -> memref<128x256xf32, #tpu.memory_space<hbm>>
      %dma_start3A_119 = arith.constant 0 : i32
      %dma_start3A_120 = tpu.memref_slice %arg8[%mul3A_2, %dma_start3A_119] : memref<8192x256xf32, #tpu.memory_space<hbm>> -> memref<128x256xf32, #tpu.memory_space<hbm>>
      tpu.enqueue_dma source(%arg14 : memref<128x256xf32, #tpu.memory_space<vmem>>) target(%dma_start3A_120 : memref<128x256xf32, #tpu.memory_space<hbm>>) target_semaphore(%run_scoped3A : memref<!tpu.dma_semaphore, #tpu.memory_space<semaphore_mem>>)
      %dma_wait3A_121 = arith.constant 0 : i32
      %dma_wait3A_122 = tpu.memref_slice %arg8[%mul3A_2, %dma_wait3A_121] : memref<8192x256xf32, #tpu.memory_space<hbm>> -> memref<128x256xf32, #tpu.memory_space<hbm>>
      %dma_wait3A_123 = arith.constant 0 : i32
      %dma_wait3A_124 = tpu.memref_slice %arg8[%mul3A_2, %dma_wait3A_123] : memref<8192x256xf32, #tpu.memory_space<hbm>> -> memref<128x256xf32, #tpu.memory_space<hbm>>
      tpu.wait_dma2 semaphore(%run_scoped3A : memref<!tpu.dma_semaphore, #tpu.memory_space<semaphore_mem>>) src(%arg14 : memref<128x256xf32, #tpu.memory_space<vmem>>) dst(%dma_wait3A_124 : memref<128x256xf32, #tpu.memory_space<hbm>>)
      tpu.yield
    }) : () -> ()
    %dma_start3A_61 = arith.constant 1 : i32
    %dma_start3A_62 = arith.constant 0 : i32
    %dma_start3A_63 = tpu.memref_slice %arg11[%dma_start3A_61, %dma_start3A_62] : memref<2x128xi32, #tpu.memory_space<vmem>> -> memref<1x128xi32, #tpu.memory_space<vmem>>
    %dma_start3A_64 = tpu.memref_squeeze %dma_start3A_63 : memref<1x128xi32, #tpu.memory_space<vmem>> -> memref<128xi32, #tpu.memory_space<vmem>>
    %dma_start3A_65 = arith.constant 0 : i32
    %dma_start3A_66 = arith.constant 0 : i32
    %dma_start3A_67 = tpu.memref_slice %arg2[%dma_start3A_65, %dma_start3A_66] : memref<8192x256xf32, #tpu.memory_space<hbm>> -> memref<8192x256xf32, #tpu.memory_space<hbm>>
    tpu.enqueue_indirect_dma source(%dma_start3A_67 : memref<8192x256xf32, #tpu.memory_space<hbm>>) target(%arg14 : memref<128x256xf32, #tpu.memory_space<vmem>>) offsets(%dma_start3A_64 : memref<128xi32, #tpu.memory_space<vmem>>) semaphore(%arg17 : memref<!tpu.dma_semaphore, #tpu.memory_space<semaphore_mem>>)
    %dma_wait3A_68 = arith.constant 0 : i32
    %dma_wait3A_69 = arith.constant 0 : i32
    %dma_wait3A_70 = arith.constant 0 : i32
    %dma_wait3A_71 = tpu.memref_slice %arg15[%dma_wait3A_69, %dma_wait3A_70] : memref<256x128xf32, #tpu.memory_space<vmem>> -> memref<128x128xf32, #tpu.memory_space<vmem>>
    %dma_wait3A_72 = arith.constant 0 : i32
    %dma_wait3A_73 = tpu.memref_slice %arg12[%dma_wait3A_68, %dma_wait3A_72] : memref<2x128xi32, #tpu.memory_space<vmem>> -> memref<1x128xi32, #tpu.memory_space<vmem>>
    %dma_wait3A_74 = tpu.memref_squeeze %dma_wait3A_73 : memref<1x128xi32, #tpu.memory_space<vmem>> -> memref<128xi32, #tpu.memory_space<vmem>>
    %dma_wait3A_75 = arith.constant 0 : i32
    %dma_wait3A_76 = arith.constant 0 : i32
    %dma_wait3A_77 = tpu.memref_slice %arg3[%dma_wait3A_75, %dma_wait3A_76] : memref<1024x128xf32, #tpu.memory_space<hbm>> -> memref<1024x128xf32, #tpu.memory_space<hbm>>
    tpu.wait_indirect_dma semaphore(%arg18 : memref<!tpu.dma_semaphore, #tpu.memory_space<semaphore_mem>>) src(%dma_wait3A_77 : memref<1024x128xf32, #tpu.memory_space<hbm>>) dst(%dma_wait3A_71 : memref<128x128xf32, #tpu.memory_space<vmem>>)
    %dma_wait3A_78 = arith.constant 1 : i32
    %dma_wait3A_79 = arith.constant 128 : i32
    %dma_wait3A_80 = arith.constant 0 : i32
    %dma_wait3A_81 = tpu.memref_slice %arg15[%dma_wait3A_79, %dma_wait3A_80] : memref<256x128xf32, #tpu.memory_space<vmem>> -> memref<128x128xf32, #tpu.memory_space<vmem>>
    %dma_wait3A_82 = arith.constant 0 : i32
    %dma_wait3A_83 = tpu.memref_slice %arg12[%dma_wait3A_78, %dma_wait3A_82] : memref<2x128xi32, #tpu.memory_space<vmem>> -> memref<1x128xi32, #tpu.memory_space<vmem>>
    %dma_wait3A_84 = tpu.memref_squeeze %dma_wait3A_83 : memref<1x128xi32, #tpu.memory_space<vmem>> -> memref<128xi32, #tpu.memory_space<vmem>>
    %dma_wait3A_85 = arith.constant 0 : i32
    %dma_wait3A_86 = arith.constant 0 : i32
    %dma_wait3A_87 = tpu.memref_slice %arg3[%dma_wait3A_85, %dma_wait3A_86] : memref<1024x128xf32, #tpu.memory_space<hbm>> -> memref<1024x128xf32, #tpu.memory_space<hbm>>
    tpu.wait_indirect_dma semaphore(%arg18 : memref<!tpu.dma_semaphore, #tpu.memory_space<semaphore_mem>>) src(%dma_wait3A_87 : memref<1024x128xf32, #tpu.memory_space<hbm>>) dst(%dma_wait3A_81 : memref<128x128xf32, #tpu.memory_space<vmem>>)
    "tpu.region"() ({
      %run_scoped3A = tpu.sem_alloc : memref<!tpu.dma_semaphore, #tpu.memory_space<semaphore_mem>>
      %dma_start3A_117 = arith.constant 0 : i32
      %dma_start3A_118 = tpu.memref_slice %arg9[%mul3A_2, %dma_start3A_117] : memref<8192x128xf32, #tpu.memory_space<hbm>> -> memref<256x128xf32, #tpu.memory_space<hbm>>
      %dma_start3A_119 = arith.constant 0 : i32
      %dma_start3A_120 = tpu.memref_slice %arg9[%mul3A_2, %dma_start3A_119] : memref<8192x128xf32, #tpu.memory_space<hbm>> -> memref<256x128xf32, #tpu.memory_space<hbm>>
      tpu.enqueue_dma source(%arg15 : memref<256x128xf32, #tpu.memory_space<vmem>>) target(%dma_start3A_120 : memref<256x128xf32, #tpu.memory_space<hbm>>) target_semaphore(%run_scoped3A : memref<!tpu.dma_semaphore, #tpu.memory_space<semaphore_mem>>)
      %dma_wait3A_121 = arith.constant 0 : i32
      %dma_wait3A_122 = tpu.memref_slice %arg9[%mul3A_2, %dma_wait3A_121] : memref<8192x128xf32, #tpu.memory_space<hbm>> -> memref<256x128xf32, #tpu.memory_space<hbm>>
      %dma_wait3A_123 = arith.constant 0 : i32
      %dma_wait3A_124 = tpu.memref_slice %arg9[%mul3A_2, %dma_wait3A_123] : memref<8192x128xf32, #tpu.memory_space<hbm>> -> memref<256x128xf32, #tpu.memory_space<hbm>>
      tpu.wait_dma2 semaphore(%run_scoped3A : memref<!tpu.dma_semaphore, #tpu.memory_space<semaphore_mem>>) src(%arg15 : memref<256x128xf32, #tpu.memory_space<vmem>>) dst(%dma_wait3A_124 : memref<256x128xf32, #tpu.memory_space<hbm>>)
      tpu.yield
    }) : () -> ()
    %dma_wait3A_88 = arith.constant 0 : i32
    %dma_wait3A_89 = arith.constant 0 : i32
    %dma_wait3A_90 = arith.constant 0 : i32
    %dma_wait3A_91 = tpu.memref_slice %arg16[%dma_wait3A_89, %dma_wait3A_90] : memref<256x128xf32, #tpu.memory_space<vmem>> -> memref<128x128xf32, #tpu.memory_space<vmem>>
    %dma_wait3A_92 = arith.constant 0 : i32
    %dma_wait3A_93 = tpu.memref_slice %arg13[%dma_wait3A_88, %dma_wait3A_92] : memref<2x128xi32, #tpu.memory_space<vmem>> -> memref<1x128xi32, #tpu.memory_space<vmem>>
    %dma_wait3A_94 = tpu.memref_squeeze %dma_wait3A_93 : memref<1x128xi32, #tpu.memory_space<vmem>> -> memref<128xi32, #tpu.memory_space<vmem>>
    %dma_wait3A_95 = arith.constant 0 : i32
    %dma_wait3A_96 = arith.constant 0 : i32
    %dma_wait3A_97 = tpu.memref_slice %arg4[%dma_wait3A_95, %dma_wait3A_96] : memref<512x128xf32, #tpu.memory_space<hbm>> -> memref<512x128xf32, #tpu.memory_space<hbm>>
    tpu.wait_indirect_dma semaphore(%arg19 : memref<!tpu.dma_semaphore, #tpu.memory_space<semaphore_mem>>) src(%dma_wait3A_97 : memref<512x128xf32, #tpu.memory_space<hbm>>) dst(%dma_wait3A_91 : memref<128x128xf32, #tpu.memory_space<vmem>>)
    %dma_wait3A_98 = arith.constant 1 : i32
    %dma_wait3A_99 = arith.constant 128 : i32
    %dma_wait3A_100 = arith.constant 0 : i32
    %dma_wait3A_101 = tpu.memref_slice %arg16[%dma_wait3A_99, %dma_wait3A_100] : memref<256x128xf32, #tpu.memory_space<vmem>> -> memref<128x128xf32, #tpu.memory_space<vmem>>
    %dma_wait3A_102 = arith.constant 0 : i32
    %dma_wait3A_103 = tpu.memref_slice %arg13[%dma_wait3A_98, %dma_wait3A_102] : memref<2x128xi32, #tpu.memory_space<vmem>> -> memref<1x128xi32, #tpu.memory_space<vmem>>
    %dma_wait3A_104 = tpu.memref_squeeze %dma_wait3A_103 : memref<1x128xi32, #tpu.memory_space<vmem>> -> memref<128xi32, #tpu.memory_space<vmem>>
    %dma_wait3A_105 = arith.constant 0 : i32
    %dma_wait3A_106 = arith.constant 0 : i32
    %dma_wait3A_107 = tpu.memref_slice %arg4[%dma_wait3A_105, %dma_wait3A_106] : memref<512x128xf32, #tpu.memory_space<hbm>> -> memref<512x128xf32, #tpu.memory_space<hbm>>
    tpu.wait_indirect_dma semaphore(%arg19 : memref<!tpu.dma_semaphore, #tpu.memory_space<semaphore_mem>>) src(%dma_wait3A_107 : memref<512x128xf32, #tpu.memory_space<hbm>>) dst(%dma_wait3A_101 : memref<128x128xf32, #tpu.memory_space<vmem>>)
    "tpu.region"() ({
      %run_scoped3A = tpu.sem_alloc : memref<!tpu.dma_semaphore, #tpu.memory_space<semaphore_mem>>
      %dma_start3A_117 = arith.constant 0 : i32
      %dma_start3A_118 = tpu.memref_slice %arg10[%mul3A_2, %dma_start3A_117] : memref<8192x128xf32, #tpu.memory_space<hbm>> -> memref<256x128xf32, #tpu.memory_space<hbm>>
      %dma_start3A_119 = arith.constant 0 : i32
      %dma_start3A_120 = tpu.memref_slice %arg10[%mul3A_2, %dma_start3A_119] : memref<8192x128xf32, #tpu.memory_space<hbm>> -> memref<256x128xf32, #tpu.memory_space<hbm>>
      tpu.enqueue_dma source(%arg16 : memref<256x128xf32, #tpu.memory_space<vmem>>) target(%dma_start3A_120 : memref<256x128xf32, #tpu.memory_space<hbm>>) target_semaphore(%run_scoped3A : memref<!tpu.dma_semaphore, #tpu.memory_space<semaphore_mem>>)
      %dma_wait3A_121 = arith.constant 0 : i32
      %dma_wait3A_122 = tpu.memref_slice %arg10[%mul3A_2, %dma_wait3A_121] : memref<8192x128xf32, #tpu.memory_space<hbm>> -> memref<256x128xf32, #tpu.memory_space<hbm>>
      %dma_wait3A_123 = arith.constant 0 : i32
      %dma_wait3A_124 = tpu.memref_slice %arg10[%mul3A_2, %dma_wait3A_123] : memref<8192x128xf32, #tpu.memory_space<hbm>> -> memref<256x128xf32, #tpu.memory_space<hbm>>
      tpu.wait_dma2 semaphore(%run_scoped3A : memref<!tpu.dma_semaphore, #tpu.memory_space<semaphore_mem>>) src(%arg16 : memref<256x128xf32, #tpu.memory_space<vmem>>) dst(%dma_wait3A_124 : memref<256x128xf32, #tpu.memory_space<hbm>>)
      tpu.yield
    }) : () -> ()
    %dma_wait3A_108 = arith.constant 1 : i32
    %dma_wait3A_109 = arith.constant 0 : i32
    %dma_wait3A_110 = tpu.memref_slice %arg11[%dma_wait3A_108, %dma_wait3A_109] : memref<2x128xi32, #tpu.memory_space<vmem>> -> memref<1x128xi32, #tpu.memory_space<vmem>>
    %dma_wait3A_111 = tpu.memref_squeeze %dma_wait3A_110 : memref<1x128xi32, #tpu.memory_space<vmem>> -> memref<128xi32, #tpu.memory_space<vmem>>
    %dma_wait3A_112 = arith.constant 0 : i32
    %dma_wait3A_113 = arith.constant 0 : i32
    %dma_wait3A_114 = tpu.memref_slice %arg2[%dma_wait3A_112, %dma_wait3A_113] : memref<8192x256xf32, #tpu.memory_space<hbm>> -> memref<8192x256xf32, #tpu.memory_space<hbm>>
    tpu.wait_indirect_dma semaphore(%arg17 : memref<!tpu.dma_semaphore, #tpu.memory_space<semaphore_mem>>) src(%dma_wait3A_114 : memref<8192x256xf32, #tpu.memory_space<hbm>>) dst(%arg14 : memref<128x256xf32, #tpu.memory_space<vmem>>)
    %add3A_115 = arith.constant 128 : i32
    %add3A_116 = arith.addi %mul3A_2, %add3A_115 : i32
    "tpu.region"() ({
      %run_scoped3A = tpu.sem_alloc : memref<!tpu.dma_semaphore, #tpu.memory_space<semaphore_mem>>
      %dma_start3A_117 = arith.constant 0 : i32
      %dma_start3A_118 = tpu.memref_slice %arg8[%add3A_116, %dma_start3A_117] : memref<8192x256xf32, #tpu.memory_space<hbm>> -> memref<128x256xf32, #tpu.memory_space<hbm>>
      %dma_start3A_119 = arith.constant 0 : i32
      %dma_start3A_120 = tpu.memref_slice %arg8[%add3A_116, %dma_start3A_119] : memref<8192x256xf32, #tpu.memory_space<hbm>> -> memref<128x256xf32, #tpu.memory_space<hbm>>
      tpu.enqueue_dma source(%arg14 : memref<128x256xf32, #tpu.memory_space<vmem>>) target(%dma_start3A_120 : memref<128x256xf32, #tpu.memory_space<hbm>>) target_semaphore(%run_scoped3A : memref<!tpu.dma_semaphore, #tpu.memory_space<semaphore_mem>>)
      %dma_wait3A_121 = arith.constant 0 : i32
      %dma_wait3A_122 = tpu.memref_slice %arg8[%add3A_116, %dma_wait3A_121] : memref<8192x256xf32, #tpu.memory_space<hbm>> -> memref<128x256xf32, #tpu.memory_space<hbm>>
      %dma_wait3A_123 = arith.constant 0 : i32
      %dma_wait3A_124 = tpu.memref_slice %arg8[%add3A_116, %dma_wait3A_123] : memref<8192x256xf32, #tpu.memory_space<hbm>> -> memref<128x256xf32, #tpu.memory_space<hbm>>
      tpu.wait_dma2 semaphore(%run_scoped3A : memref<!tpu.dma_semaphore, #tpu.memory_space<semaphore_mem>>) src(%arg14 : memref<128x256xf32, #tpu.memory_space<vmem>>) dst(%dma_wait3A_124 : memref<128x256xf32, #tpu.memory_space<hbm>>)
      tpu.yield
    }) : () -> ()
    return
  }
}

module attributes {stable_mosaic.version = 14 : i64} {
  func.func @_dec_body(%arg0: i32, %arg1: memref<256x256xf32, #tpu.memory_space<vmem>>, %arg2: memref<256x128xf32, #tpu.memory_space<vmem>>, %arg3: memref<256x64xf32, #tpu.memory_space<vmem>>, %arg4: memref<256x448xf32, #tpu.memory_space<vmem>>, %arg5: memref<448x512xf32, #tpu.memory_space<vmem>>, %arg6: memref<1x512xf32, #tpu.memory_space<vmem>>, %arg7: memref<512x1024xf32, #tpu.memory_space<vmem>>, %arg8: memref<1x1024xf32, #tpu.memory_space<vmem>>, %arg9: memref<1024x768xf32, #tpu.memory_space<vmem>>, %arg10: memref<1x768xf32, #tpu.memory_space<vmem>>, %arg11: memref<256x768xf32, #tpu.memory_space<vmem>>) attributes {dimension_semantics = [#tpu.dimension_semantics<arbitrary>], iteration_bounds = array<i64: 32>, scalar_prefetch = 0 : i64, scratch_operands = 0 : i64, tpu.core_type = #tpu.core_type<tc>, window_params = [{transform_indices = @transform_0, window_bounds = array<i64: 256, 256>}, {transform_indices = @transform_1, window_bounds = array<i64: 256, 128>}, {transform_indices = @transform_2, window_bounds = array<i64: 256, 64>}, {transform_indices = @transform_3, window_bounds = array<i64: 256, 448>}, {pipeline_mode = #tpu.pipeline_mode<synchronous>, transform_indices = @transform_4, window_bounds = array<i64: 448, 512>}, {pipeline_mode = #tpu.pipeline_mode<synchronous>, transform_indices = @transform_5, window_bounds = array<i64: 1, 512>}, {pipeline_mode = #tpu.pipeline_mode<synchronous>, transform_indices = @transform_6, window_bounds = array<i64: 512, 1024>}, {pipeline_mode = #tpu.pipeline_mode<synchronous>, transform_indices = @transform_7, window_bounds = array<i64: 1, 1024>}, {pipeline_mode = #tpu.pipeline_mode<synchronous>, transform_indices = @transform_8, window_bounds = array<i64: 1024, 768>}, {pipeline_mode = #tpu.pipeline_mode<synchronous>, transform_indices = @transform_9, window_bounds = array<i64: 1, 768>}, {transform_indices = @transform_10, window_bounds = array<i64: 256, 768>}]} {
    %get3A = arith.constant 0 : index
    %get3A_0 = arith.constant 0 : index
    %get3A_1 = vector.load %arg1[%get3A, %get3A_0] : memref<256x256xf32, #tpu.memory_space<vmem>>, vector<256x256xf32>
    %get3A_2 = arith.constant 0 : index
    %get3A_3 = arith.constant 0 : index
    %get3A_4 = vector.load %arg2[%get3A_2, %get3A_3] : memref<256x128xf32, #tpu.memory_space<vmem>>, vector<256x128xf32>
    %get3A_5 = arith.constant 0 : index
    %get3A_6 = arith.constant 0 : index
    %get3A_7 = vector.load %arg3[%get3A_5, %get3A_6] : memref<256x64xf32, #tpu.memory_space<vmem>>, vector<256x64xf32>
    %concatenate3A = tpu.concatenate %get3A_1, %get3A_4, %get3A_7 in 1 : vector<256x256xf32>, vector<256x128xf32>, vector<256x64xf32> -> vector<256x448xf32>
    %convert_element_type3A = arith.truncf %concatenate3A : vector<256x448xf32> to vector<256x448xbf16>
    %convert_element_type3A_8 = arith.extf %convert_element_type3A : vector<256x448xbf16> to vector<256x448xf32>
    %get3A_9 = arith.constant 0 : index
    %get3A_10 = arith.constant 0 : index
    %get3A_11 = vector.load %arg5[%get3A_9, %get3A_10] : memref<448x512xf32, #tpu.memory_space<vmem>>, vector<448x512xf32>
    %dot_general3A = arith.constant dense<0.000000e+00> : vector<256x512xf32>
    %dot_general3A_12 = tpu.matmul %convert_element_type3A_8, %get3A_11, %dot_general3A {dimension_numbers = #tpu.dot_dimension_numbers<[1], [0], [0], [1], [0, 0, 1, 1], [], []>, transpose_lhs_hint = false} : vector<256x448xf32>, vector<448x512xf32>, vector<256x512xf32> -> vector<256x512xf32>
    %get3A_13 = arith.constant 0 : index
    %get3A_14 = arith.constant 0 : index
    %get3A_15 = vector.load %arg6[%get3A_13, %get3A_14] : memref<1x512xf32, #tpu.memory_space<vmem>>, vector<1x512xf32>
    %add3A = vector.broadcast %get3A_15 : vector<1x512xf32> to vector<256x512xf32>
    %add3A_16 = arith.addf %dot_general3A_12, %add3A : vector<256x512xf32>
    %max3A = arith.constant 0.000000e+00 : f32
    %max3A_17 = vector.broadcast %max3A : f32 to vector<256x512xf32>
    %max3A_18 = arith.maximumf %add3A_16, %max3A_17 : vector<256x512xf32>
    %get3A_19 = arith.constant 0 : index
    %get3A_20 = arith.constant 0 : index
    %get3A_21 = vector.load %arg7[%get3A_19, %get3A_20] : memref<512x1024xf32, #tpu.memory_space<vmem>>, vector<512x1024xf32>
    %dot_general3A_22 = arith.constant dense<0.000000e+00> : vector<256x1024xf32>
    %dot_general3A_23 = tpu.matmul %max3A_18, %get3A_21, %dot_general3A_22 {dimension_numbers = #tpu.dot_dimension_numbers<[1], [0], [0], [1], [0, 0, 1, 1], [], []>, transpose_lhs_hint = false} : vector<256x512xf32>, vector<512x1024xf32>, vector<256x1024xf32> -> vector<256x1024xf32>
    %get3A_24 = arith.constant 0 : index
    %get3A_25 = arith.constant 0 : index
    %get3A_26 = vector.load %arg8[%get3A_24, %get3A_25] : memref<1x1024xf32, #tpu.memory_space<vmem>>, vector<1x1024xf32>
    %add3A_27 = vector.broadcast %get3A_26 : vector<1x1024xf32> to vector<256x1024xf32>
    %add3A_28 = arith.addf %dot_general3A_23, %add3A_27 : vector<256x1024xf32>
    %max3A_29 = arith.constant 0.000000e+00 : f32
    %max3A_30 = vector.broadcast %max3A_29 : f32 to vector<256x1024xf32>
    %max3A_31 = arith.maximumf %add3A_28, %max3A_30 : vector<256x1024xf32>
    %convert_element_type3A_32 = arith.truncf %max3A_31 : vector<256x1024xf32> to vector<256x1024xbf16>
    %convert_element_type3A_33 = arith.extf %convert_element_type3A_32 : vector<256x1024xbf16> to vector<256x1024xf32>
    %get3A_34 = arith.constant 0 : index
    %get3A_35 = arith.constant 0 : index
    %get3A_36 = vector.load %arg9[%get3A_34, %get3A_35] : memref<1024x768xf32, #tpu.memory_space<vmem>>, vector<1024x768xf32>
    %dot_general3A_37 = arith.constant dense<0.000000e+00> : vector<256x768xf32>
    %dot_general3A_38 = tpu.matmul %convert_element_type3A_33, %get3A_36, %dot_general3A_37 {dimension_numbers = #tpu.dot_dimension_numbers<[1], [0], [0], [1], [0, 0, 1, 1], [], []>, transpose_lhs_hint = false} : vector<256x1024xf32>, vector<1024x768xf32>, vector<256x768xf32> -> vector<256x768xf32>
    %get3A_39 = arith.constant 0 : index
    %get3A_40 = arith.constant 0 : index
    %get3A_41 = vector.load %arg10[%get3A_39, %get3A_40] : memref<1x768xf32, #tpu.memory_space<vmem>>, vector<1x768xf32>
    %add3A_42 = vector.broadcast %get3A_41 : vector<1x768xf32> to vector<256x768xf32>
    %add3A_43 = arith.addf %dot_general3A_38, %add3A_42 : vector<256x768xf32>
    %swap3A = arith.constant 0 : index
    %swap3A_44 = arith.constant 0 : index
    %swap3A_45 = vector.load %arg11[%swap3A, %swap3A_44] : memref<256x768xf32, #tpu.memory_space<vmem>>, vector<256x768xf32>
    tpu.vector_store %arg11[%swap3A, %swap3A_44], %add3A_43 {strides = array<i32>} : memref<256x768xf32, #tpu.memory_space<vmem>>, vector<256x768xf32>,
    return
  }
  func.func @transform_0(%arg0: i32) -> (i32, i32) {
    %c0_i32 = arith.constant 0 : i32
    %c0_i32_0 = arith.constant 0 : i32
    return %arg0, %c0_i32 : i32, i32
  }
  func.func @transform_1(%arg0: i32) -> (i32, i32) {
    %c0_i32 = arith.constant 0 : i32
    %c0_i32_0 = arith.constant 0 : i32
    return %arg0, %c0_i32 : i32, i32
  }
  func.func @transform_2(%arg0: i32) -> (i32, i32) {
    %c0_i32 = arith.constant 0 : i32
    %c0_i32_0 = arith.constant 0 : i32
    return %arg0, %c0_i32 : i32, i32
  }
  func.func @transform_3(%arg0: i32) -> (i32, i32) {
    %c0_i32 = arith.constant 0 : i32
    %c0_i32_0 = arith.constant 0 : i32
    return %arg0, %c0_i32 : i32, i32
  }
  func.func @transform_4(%arg0: i32) -> (i32, i32) {
    %c0_i32 = arith.constant 0 : i32
    %c0_i32_0 = arith.constant 0 : i32
    %c0_i32_1 = arith.constant 0 : i32
    return %c0_i32, %c0_i32_0 : i32, i32
  }
  func.func @transform_5(%arg0: i32) -> (i32, i32) {
    %c0_i32 = arith.constant 0 : i32
    %c0_i32_0 = arith.constant 0 : i32
    %c0_i32_1 = arith.constant 0 : i32
    return %c0_i32, %c0_i32_0 : i32, i32
  }
  func.func @transform_6(%arg0: i32) -> (i32, i32) {
    %c0_i32 = arith.constant 0 : i32
    %c0_i32_0 = arith.constant 0 : i32
    %c0_i32_1 = arith.constant 0 : i32
    return %c0_i32, %c0_i32_0 : i32, i32
  }
  func.func @transform_7(%arg0: i32) -> (i32, i32) {
    %c0_i32 = arith.constant 0 : i32
    %c0_i32_0 = arith.constant 0 : i32
    %c0_i32_1 = arith.constant 0 : i32
    return %c0_i32, %c0_i32_0 : i32, i32
  }
  func.func @transform_8(%arg0: i32) -> (i32, i32) {
    %c0_i32 = arith.constant 0 : i32
    %c0_i32_0 = arith.constant 0 : i32
    %c0_i32_1 = arith.constant 0 : i32
    return %c0_i32, %c0_i32_0 : i32, i32
  }
  func.func @transform_9(%arg0: i32) -> (i32, i32) {
    %c0_i32 = arith.constant 0 : i32
    %c0_i32_0 = arith.constant 0 : i32
    %c0_i32_1 = arith.constant 0 : i32
    return %c0_i32, %c0_i32_0 : i32, i32
  }
  func.func @transform_10(%arg0: i32) -> (i32, i32) {
    %c0_i32 = arith.constant 0 : i32
    %c0_i32_0 = arith.constant 0 : i32
    return %arg0, %c0_i32 : i32, i32
  }
}

</mosaic_0001>

<sc_bundles>
// kernel: gather_offload_async_start
scs
__scs_entry_jumppad:
0x0: {  	(pc) =	sbr.rel $0x88, $3  }
0x1: {  	(tag) =	ssettag $0x0;
	lr =	simm.s32 $0x1  }
0x2: {  	[smem:$0x3F81] =	sst lr;
	_ =	strace $0xD0000000  }
0x3: {  	_ = 	snop  }
0x4: {  	_ = 	snop  }
0x5: {  	_ = 	snop  }
0x6: {  	_ = 	snop  }
0x7: {  	_ = 	snop  }
__scs_overlays_trampoline_lowered:
0x8: {  	[smem:$0x3F90] =	sst s0  }
0x9: {  	[smem:$0x3F91] =	sst s1  }
0xa: {  	[smem:$0x3F92] =	sst s2  }
0xb: {  	[smem:$0x3F93] =	sst s3  }
0xc: {  	[smem:$0x3F94] =	sst s4  }
0xd: {  	[smem:$0x3F95] =	sst s5  }
0xe: {  	[smem:$0x3F96] =	sst s6  }
0xf: {  	[smem:$0x3F97] =	sst s7  }
0x10: {  	[smem:$0x3F98] =	sst s8  }
0x11: {  	[smem:$0x3F99] =	sst s9;
	s0 =	simm.s32 @!p0 $0x0  }
0x12: {  	s1 =	sld [smem:$0x3F7F];
	s0 =	simm.s32 @p0 $0x1  }
0x13: {  	[smem:$0x3F9A] =	sst s0;
	s0 =	simm.s32 @!p1 $0x0  }
0x14: {  	s2 =	sld [smem:$0x3F7E];
	s0 =	simm.s32 @p1 $0x1  }
0x15: {  	[smem:$0x3F9B] =	sst s0;
	s0 =	simm.s32 @!p2 $0x0  }
0x16: {  	s3 =	sld [smem:$0x3FDB];
	s0 =	simm.s32 @p2 $0x1  }
0x17: {  	s4 =	simm.s32 $0x1BF5;
	[smem:$0x3F9D] =	sst s0  }
0x18: {  	s0 =	sld [smem:$0x3F80];
	_ =	swait.ge [sflag:s4], $0x0  }
0x19: {  	s7 =	sld [smem:$0x3F81]  }
0x1a: {  	s8 =	sadd.s32 $0xFFFFE003, lr  }
0x1b: {  	s9 =	sadd.s32 $0xFFFFFEF7, lr;
	s5 =	simm.s32 $0xFFFFFFFF;
	p2 =	slt.u32 s8, $0xFFFFF086  }
0x1c: {  	p1 =	slt.u32 s9, $0xF7A;
	s5 =	simm.s32 @!p2 $0x0  }
0x1d: {  	s5 =	simm.s32 @p1 $0x1;
	p0 =	seq.s32 s7, s2  }
0x1e: {  	s7 =	smul.u32 @!p0 $0xF7A, s2;
	p2 =	seq.s32 @!p0 s5, $0x0  }
0x1f: {  	s9 =	smul.u32 $0xF7A, s1;
	s8 =	simm.s32 @!p0 $0x1BF5;
	p2 =	por !p2, p0  }
0x20: {  	[sflag:s8] =	ssyncset.s32 @!p0 $0xFFFFF086;
	s6 =	sadd.s32 @!p0 s3, s7;
	s7 =	simm.s32 @!p0 $0x108  }
0x21: {  	s3 =	sadd.s32 s3, s9;
	s6 =	sadd.s32 @!p0 $0x88, s6;
	s7 =	simm.s32 @p2 $0x1082  }
0x22: {  	[simem:s7], [sflag:s8] =	dma.local @!p0 [hbm:s6], $0xF7A  }
0x23: {  	s9 =	sor.u32 $0xD0000000, s2;
	s6 =	simm.s32 $0x108;
	_ =	swait.ge @!p0 [sflag:s8], $0x0  }
0x24: {  	s3 =	sadd.s32 $0x88, s3;
	s6 =	simm.s32 @!p1 $0x1082;
	[sflag:s4] =	ssyncset.s32 $0xFFFFF086  }
0x25: {  	[simem:s6], [sflag:s4] =	dma.local [hbm:s3], $0xF7A  }
0x26: {  	[smem:$0x3F81] =	sst s1;
	(tag) =	ssettag s2;
	_ =	strace s9  }
0x27: {  	s1 =	sld [smem:$0x3F91]  }
0x28: {  	s2 =	sld [smem:$0x3F92]  }
0x29: {  	s4 =	sld [smem:$0x3F94]  }
0x2a: {  	p0 =	seq.s32 s5, $0x0;
	s5 =	sld [smem:$0x3F95]  }
0x2b: {  	s6 =	sld [smem:$0x3F96]  }
0x2c: {  	s7 =	sld [smem:$0x3F97]  }
0x2d: {  	s3 =	simm.s32 $0x108;
	s8 =	sld [smem:$0x3F98]  }
0x2e: {  	s3 =	simm.s32 @!p0 $0x1082;
	s9 =	sld [smem:$0x3F99]  }
0x2f: {  	lr =	sadd.s32 s0, s3;
	s0 =	sld [smem:$0x3F90]  }
0x30: {  	s3 =	sld [smem:$0x3F93]  }
0x31: {  	[smem:$0x3F9C] =	sst s10  }
0x32: {  	s10 =	sld [smem:$0x3F9A];
	_ =	sdelay $0x3  }
0x33: {  	p0 =	seq.s32 s10, $0x1;
	s10 =	sld [smem:$0x3F9C];
	_ =	sdelay $0x3  }
0x34: {  	[smem:$0x3F9C] =	sst s10  }
0x35: {  	s10 =	sld [smem:$0x3F9B];
	_ =	sdelay $0x3  }
0x36: {  	p1 =	seq.s32 s10, $0x1;
	s10 =	sld [smem:$0x3F9C];
	_ =	sdelay $0x3  }
0x37: {  	[smem:$0x3F9C] =	sst s10  }
0x38: {  	s10 =	sld [smem:$0x3F9D]  }
0x39: {  	_ = 	snop;
	(pc) =	sbr.ind lr, $3  }
0x3a: {  	_ = 	snop  }
0x3b: {  	_ = 	snop  }
0x3c: {  	p2 =	seq.s32 s10, $0x1;
	s10 =	sld [smem:$0x3F9C]  }
0x3d: {  	_ =	shalt  }
0x3e: {  	_ =	shalt  }
0x3f: {  	_ =	shalt  }
0x40: {  	_ =	shalt  }
0x41: {  	_ =	shalt  }
0x42: {  	_ =	shalt  }
0x43: {  	_ =	shalt  }
0x44: {  	_ =	shalt  }
0x45: {  	_ =	shalt  }
0x46: {  	_ =	shalt  }
0x47: {  	_ =	shalt  }
0x48: {  	_ =	shalt  }
0x49: {  	_ =	shalt  }
0x4a: {  	_ =	shalt  }
0x4b: {  	_ =	shalt  }
0x4c: {  	_ =	shalt  }
0x4d: {  	_ =	shalt  }
0x4e: {  	_ =	shalt  }
0x4f: {  	_ =	shalt  }
0x50: {  	_ =	shalt  }
0x51: {  	_ =	shalt  }
0x52: {  	_ =	shalt  }
0x53: {  	_ =	shalt  }
0x54: {  	_ =	shalt  }
0x55: {  	_ =	shalt  }
0x56: {  	_ =	shalt  }
0x57: {  	_ =	shalt  }
0x58: {  	_ =	shalt  }
0x59: {  	_ =	shalt  }
0x5a: {  	_ =	shalt  }
0x5b: {  	_ =	shalt  }
0x5c: {  	_ =	shalt  }
0x5d: {  	_ =	shalt  }
0x5e: {  	_ =	shalt  }
0x5f: {  	_ =	shalt  }
0x60: {  	_ =	shalt  }
0x61: {  	_ =	shalt  }
0x62: {  	_ =	shalt  }
0x63: {  	_ =	shalt  }
0x64: {  	_ =	shalt  }
0x65: {  	_ =	shalt  }
0x66: {  	_ =	shalt  }
0x67: {  	_ =	shalt  }
0x68: {  	_ =	shalt  }
0x69: {  	_ =	shalt  }
0x6a: {  	_ =	shalt  }
0x6b: {  	_ =	shalt  }
0x6c: {  	_ =	shalt  }
0x6d: {  	_ =	shalt  }
0x6e: {  	_ =	shalt  }
0x6f: {  	_ =	shalt  }
0x70: {  	_ =	shalt  }
0x71: {  	_ =	shalt  }
0x72: {  	_ =	shalt  }
0x73: {  	_ =	shalt  }
0x74: {  	_ =	shalt  }
0x75: {  	_ =	shalt  }
0x76: {  	_ =	shalt  }
0x77: {  	_ =	shalt  }
0x78: {  	_ =	shalt  }
0x79: {  	_ =	shalt  }
0x7a: {  	_ =	shalt  }
0x7b: {  	_ =	shalt  }
0x7c: {  	_ =	shalt  }
0x7d: {  	_ =	shalt  }
0x7e: {  	_ =	shalt  }
0x7f: {  	_ =	shalt  }
0x80: {  	_ =	shalt  }
0x81: {  	_ =	shalt  }
0x82: {  	_ =	shalt  }
0x83: {  	_ =	shalt  }
0x84: {  	_ =	shalt  }
0x85: {  	_ =	shalt  }
0x86: {  	_ =	shalt  }
0x87: {  	_ =	shalt  }
.Lfunc_end0:
.L_simem_size_0:
called_computation_lowered:
.L_overlay_start_0:
0x88: {  	s2 =	sld [smem:$0x3FD9]  }
0x89: {  	s3 =	sld [smem:$0x3FFE];
	_ =	sdelay $0x1  }
0x8a: {  	s1 =	srdreg.scid  }
0x8b: {  	s0 =	sand.u32 $0x1, s1  }
0x8c: {  	s14 =	sshll.u32 s0, $0xA;
	s2 =	sadd.s32 s3, s2  }
0x8d: {  	s2 =	sadd.s32 s2, s14  }
0x8e: {  	[smem:$0x3FA8] =	sst s2  }
0x8f: {  	_ = 	snop  }
0x90: {  	s2 =	sld [smem:$0x3FD0];
	_ =	sdelay $0x2  }
0x91: {  	s4 =	simm.s32 $0xA;
	s5 =	simm.s32 $0x10;
	s15 =	sld [smem:$0x3FB2]  }
0x92: {  	[smem:s5], [sflag:s4] =	dma.local [hbm:s2], $0x1  }
0x93: {  	_ =	swait.eq [sflag:s4], $0x1  }
0x94: {  	[sflag:s4] =	ssyncset.done $0x0  }
0x95: {  	[sflag:s4] =	ssyncadd.s32 $0xFFFFFFFF  }
0x96: {  	s16 =	sld [smem:$0x10];
	(tm) =	ssettm $0x1  }
0x97: {  	s17 =	sld [smem:$0x3FFB];
	_ =	sdelay $0x3  }
0x98: {  	_ =	strace s17  }
0x99: {  	s4 =	sld [smem:$0x3FFC];
	_ =	sdelay $0x3  }
0x9a: {  	_ =	strace s4  }
0x9b: {  	s4 =	sld [smem:$0x3FFD];
	_ =	sdelay $0x3  }
0x9c: {  	_ =	strace s4  }
0x9d: {  	_ =	strace $0x8FFFFFFF  }
0x9e: {  	s18 =	sld [smem:$0x3FDB];
	_ =	sdelay $0x1  }
0x9f: {  	s19 =	simm.s32 $_scs_section_size  }
0xa0: {  	s6 =	simm.s32 $_size__tile_overlayer_lowered;
	s7 =	simm.s32 $_tile_overlayer_lowered  }
0xa1: {  	s22 =	simm.s32 $0x1BFF;
	s21 =	sshll.u32 s7, $0x1;
	s4 =	sadd.s32 s19, s18  }
0xa2: {  	s8 =	simm.s32 $0x0;
	s20 =	sshll.u32 s6, $0x1;
	s6 =	sadd.s32 s21, s4  }
0xa3: {  	[timem:s8], [sflag:s22] =	dma.local [hbm:s6], s20  }
0xa4: {  	_ =	swait.ge [sflag:s22], s20  }
0xa5: {  	s5 =	ssub.s32 $0x0, s20;
	[sflag:s22] =	ssyncset.done $0x0  }
0xa6: {  	[sflag:s22] =	ssyncadd.s32 s5;
	_ =	sdelay $0x1  }
0xa7: {  	s23 =	simm.s32 $0x1B8B  }
0xa8: {  	_ =	swait.ge [sflag:s23], $0x1  }
0xa9: {  	[sflag:s23] =	ssyncset.done $0x0  }
0xaa: {  	s25 =	simm.s32 $0x1B8E;
	s24 =	sld [smem:$0x3FFE];
	[sflag:s23] =	ssyncadd.s32 $0xFFFFFFFF  }
0xab: {  	s26 =	simm.s32 $execute0_lowered;
	[smem:$0x3FD2] =	sst s25  }
0xac: {  	s6 =	sshll.u32 s26, $0x1;
	_ =	strace $0x80000046;
	[dreg:$0x1] =	wrdreg $0xFFFFFFFF  }
0xad: {  	s28 =	simm.s32 $_size_execute0_lowered;
	s4 =	sadd.s32 s4, s6;
	[dreg:$0x0] =	wrdreg $0x0  }
0xae: {  	s6 =	sshll.u32 s28, $0x1;
	[dreg:$0x2] =	wrdreg s4  }
0xaf: {  	[dreg:$0x3] =	wrdreg s6  }
0xb0: {  	[dreg:$0x4] =	wrdreg $0xC0  }
0xb1: {  	_ =	task [dreg:s8], $0x5FFFF  }
0xb2: {  	[dreg:$0x1] =	wrdreg $0xFFFFFFFF  }
0xb3: {  	[dreg:$0x0] =	wrdreg $0x60  }
0xb4: {  	[dreg:$0x2] =	wrdreg s15  }
0xb5: {  	[dreg:$0x3] =	wrdreg s24  }
0xb6: {  	[dreg:$0x4] =	wrdreg s16  }
0xb7: {  	[dreg:$0x5] =	wrdreg $0x9  }
0xb8: {  	_ =	task.clear_ibuf [dreg:s8], $0x6FFFF;
	_ =	strace $0x90000046  }
0xb9: {  	s29 =	simm.s32 $0x9;
	_ =	strace $0x80000048  }
0xba: {  	_ =	swait.ge [sflag:s29], $0x1  }
0xbb: {  	[sflag:s29] =	ssyncadd.s32 $0xFFFFFFFF  }
0xbc: {  	_ =	strace $0x90000048  }
0xbd: {  	_ =	sfence  }
0xbe: {  	s30 =	sld [smem:$0x0];
	_ =	sdelay $0x2  }
0xbf: {  	s31 =	sshll.u32 s1, $0xD;
	s1 =	sshrl.u32 s1, $0x2  }
0xc0: {  	s3 =	sand.u32 $0x4000, s31;
	s1 =	sadd.s32 s1, s30  }
0xc1: {  	s0 =	sor.u32 s3, s0;
	s1 =	sshll.u32 s1, $0x11  }
0xc2: {  	s0 =	sor.u32 s1, s0  }
0xc3: {  	s0 =	sadd.s32 $0x8F2B, s0  }
0xc4: {  	[sflag:s0] =	ssyncadd.remote.s32 $0x1  }
0xc5: {  	_ =	sfence.sel $0xFFFF  }
0xc6: {  	[dreg:$0x0] =	wrdreg $0xFFFFFFFF;
	(pc) =	sbr.abs _section_cstart, $3  }
0xc7: {  	[dreg:$0x1] =	wrdreg $0xFFFFFFFF  }
0xc8: {  	_ =	task.clear_ibuf [dreg:s8], $0x2FFFF;
	_ =	strace $0x9FFFFFFF  }
0xc9: {  	(tm) =	ssettm $0x7FFFFFFF  }
tec
execute0_lowered:
.L_overlay_start_1:
0x0: {  	(tag) =	ssettag $0x1  }
0x1: {  	s2 =	rddreg [dreg:$0x0]  }
0x2: {  	s7 =	rddreg [dreg:$0x1]  }
0x3: {  	s3 =	rddreg [dreg:$0x2]  }
0x4: {  	s0 =	rddreg [dreg:$0x3];
	s1 =	srdreg.scid;
	_ =	strace $0x80000047  }
0x5: {  	s4 =	simm.s32 $0x1;
	s9 =	simm.s32 $0x3;
	s5 =	sshll.u32 s1, $0x4  }
.Ltmp0:
0x6: {  	s1 =	stileid.u32;
	s5 =	sand.u32 $0x10, s5;
	(pc) =	sbr.rel .LBB2_1-.Ltmp0, $4  }
0x7: {  	s11 =	simm.s32 $0x0;
	p0 =	por $0x0, $0x0;
	s6 =	sor.u32 s1, s5  }
0x8: {  	[sflag:s4] =	ssyncpa.u1 $0x0;
	s5 =	simm.s32 $0x2;
	s6 =	sshll.u32 s6, $0x8  }
0x9: {  	s7 =	sadd.s32 $0x60800, s7;
	[sflag:s5] =	ssyncpa.u1 $0x0;
	s8 =	sadd.s32 $0x100, s6  }
0xa: {  	vm0 =	vmmov $0xff;
	vm1 =	vcmask $0x3F20;
	[sflag:s9] =	ssyncpa.u1 $0x0;
	s10 =	smov.u32 s6;
	s9 =	simm.s32 $0x0  }
.LBB2_8:
0xb: {  	[hbm:s15] =	stream.linear.scatter [tilespmem:s12], [sflag:$0x3], $0x800, $0x38;
	[tilespmem:$0x10100] =	vst v63  }
.LBB2_9:
0xc: {  	p1 =	slt.u32 s9, $0x2;
	s11 =	sadd.s32 $0x80, s10  }
0xd: {  	s13 =	smov.u32 s6;
	s9 =	sadd.s32 $0x1, s9;
	p2 =	slt.s32 s11, s8  }
0xe: {  	s13 =	smov.u32 @p2 s11;
	p2 =	sne.s32 s9, $0x4  }
.Ltmp1:
0xf: {  	_ = 	snop;
	(pc) =	sbr.rel @!p2 .LBB2_10-.Ltmp1, $4  }
0x10: {  	s12 =	simm.s32 @!p1 $0x3  }
0x11: {  	_ =	swait.ge @!p1 [sflag:s12], $0x8000  }
0x12: {  	p0 =	por !p0, !p0;
	[sflag:s12] =	ssyncset.done @!p1 $0x0  }
0x13: {  	s11 =	smov.u32 s10;
	s10 =	smov.u32 s13;
	[sflag:s12] =	ssyncadd.s32 @!p1 $0xFFFF8000  }
.LBB2_1:
0x14: {  	p1 =	sgt.u32 s9, $0x1  }
0x15: {  	s12 =	sshll.u32 @!p1 s9, $0x7;
	s13 =	sshrl.u32 @!p1 s10, $0x3  }
0x16: {  	s14 =	sand.u32 @!p1 $0x7, s10;
	s12 =	sxor.u32 @!p1 $0x80, s12;
	s13 =	sadd.s32 @!p1 s7, s13  }
0x17: {  	[tilespmem:s12], [sflag:$0x2] =	stream.linear.gather @!p1 [hbm4b:s13+s14], $0x80, $0x38;
	[tilespmem:$0x10100] =	vst v63  }
0x18: {  	p1 =	seq.s32 s9, $0x0  }
0x19: {  	p2 =	seq.s32 @!p1 s9, $0x3  }
0x1a: {  	p1 =	por p1, p2  }
.Ltmp2:
0x1b: {  	_ = 	snop;
	(pc) =	sbr.rel @p1 .LBB2_9-.Ltmp2, $1  }
0x1c: {  	_ =	sdelay $0x3  }
0x1d: {  	s12 =	simm.s32 $0x1;
	_ =	swait.ge [sflag:s5], $0x80;
	s13 =	sand.u32 $0x1, s9  }
0x1e: {  	s15 =	simm.s32 $0x0;
	s12 =	simm.s32 @!p0 $0x0;
	[sflag:s5] =	ssyncset.done $0x0  }
0x1f: {  	s14 =	sshll.u32 s13, $0xF;
	s13 =	sshll.u32 s13, $0x7;
	s12 =	sshll.u32 s12, $0xF  }
0x20: {  	[sflag:s5] =	ssyncadd.s32 $0xFFFFFF80;
	s14 =	sor.u32 $0x100, s14;
	s12 =	sor.u32 $0x100, s12  }
.LBB2_3:
0x21: {  	s16 =	sshll.u32 s15, $0x4  }
0x22: {  	s16 =	sand.u32 $0x3FFFFFF0, s16  }
0x23: {  	s16 =	sadd.s32 s16, s13  }
0x24: {  	v0 =	vld.msk [tilespmem:s16+$0x0 ss:$0x1], $0xffff;
	_ =	sdelay $0x4  }
0x25: {  	vm2 =	vgt.s32 v0, $0x0  }
0x26: {  	v0 =	vnsel vm2, $0x0, v0  }
0x27: {  	v0 =	vmin.u32 v0, $0x1FFF  }
0x28: {  	s31 =	sshll.u32 s15, $0xC;
	v1 =	vshll.u32 v0, $0x5;
	v0 =	vshll.u32 v0, $0x4  }
0x29: {  	s16 =	sand.u32 $0x3FFFF000, s31;
	v1 =	vand.u32 $0x3FF00, v1;
	v0 =	vand.u32 $0x70, v0  }
0x2a: {  	p1 =	por $0x1, $0x1;
	s17 =	simm.s32 $0x0;
	s16 =	sadd.s32 s16, s14;
	v0 =	vor.u32 v0, v1  }
.LBB2_4:
0x2b: {  	_ =	sdelay $0x1  }
0x2c: {  	s17 =	sshra.s32 s17, $0x2;
	p2 =	por p1, p1  }
.Ltmp3:
0x2d: {  	s17 =	sadd.s32 s17, s16;
	(pc) =	sbr.rel @p2 .LBB2_4-.Ltmp3, $4  }
0x2e: {  	[tilespmem:s17], [sflag:$0x1] =	stream.indirect_vreg.gather [hbm:s2], $0x80, v0, vm0, $0x38;
	[tilespmem:$0x10100] =	vst v63  }
0x2f: {  	s17 =	sadd.s32 $0x800, s17  }
0x30: {  	[tilespmem:s17], [sflag:$0x1] =	stream.indirect_vreg.gather [hbm:s2], $0x80, v0, vm1, $0x38;
	[tilespmem:$0x10100] =	vst v63  }
0x31: {  	p1 =	por $0x0, $0x0;
	v0 =	vadd.s32 $0x80, v0;
	s17 =	simm.s32 $0x1000  }
0x32: {  	s15 =	sadd.s32 $0x1, s15  }
0x33: {  	p1 =	sne.s32 s15, $0x8  }
.Ltmp4:
0x34: {  	_ = 	snop;
	(pc) =	sbr.rel @p1 .LBB2_3-.Ltmp4, $1  }
0x35: {  	_ =	sdelay $0x3  }
0x36: {  	s13 =	sshll.u32 s11, $0x5  }
0x37: {  	s31 =	sshll.u32 s11, $0x4;
	s13 =	sand.u32 $0xFFFFFF00, s13  }
0x38: {  	_ =	swait.ge [sflag:s4], $0x8000;
	s11 =	sand.u32 $0x70, s31;
	s13 =	sadd.s32 s13, s3  }
0x39: {  	s14 =	sadd.s32 $0x800, s12;
	[sflag:s4] =	ssyncset.done $0x0;
	s11 =	sadd.s32 s11, s13  }
0x3a: {  	[sflag:s4] =	ssyncadd.s32 $0xFFFF8000;
	s13 =	simm.s32 $0x100;
	s15 =	sadd.s32 $0x0, s11  }
.LBB2_7:
0x3b: {  	[hbm:s15] =	stream.linear.scatter [tilespmem:s12], [sflag:$0x3], $0x800, $0x38;
	[tilespmem:$0x10100] =	vst v63  }
0x3c: {  	s15 =	smov.u32 s13;
	s12 =	smov.u32 s14;
	p1 =	sne.s32 s13, $0xF00  }
.Ltmp5:
0x3d: {  	s13 =	sadd.s32 $0x100, s13;
	(pc) =	sbr.rel @p1 .LBB2_7-.Ltmp5, $2  }
0x3e: {  	_ =	sdelay $0x2  }
0x3f: {  	s14 =	sadd.s32 $0x800, s14;
	s15 =	sadd.s32 s15, s11  }
.Ltmp6:
0x40: {  	_ = 	snop;
	(pc) =	sbr.rel .LBB2_8-.Ltmp6, $1  }
0x41: {  	_ =	sdelay $0x3  }
.LBB2_10:
0x42: {  	_ =	sfence.sel $0x180000  }
0x43: {  	s2 =	simm.s32 $0x2;
	[bflag:$0x0] =	sbarrier.arrive $0xFFFF  }
0x44: {  	s30 =	simm.s32 $0x3;
	[sflag:s2] =	ssyncpa.u1 $0x1  }
0x45: {  	s31 =	simm.s32 $0x1;
	[sflag:s30] =	ssyncpa.u1 $0x1  }
0x46: {  	[sflag:s31] =	ssyncpa.u1 $0x1  }
0x47: {  	p0 =	sne.s32 s1, $0x0;
	_ =	strace $0x90000047  }
0x48: {  	s0 =	sadd.s32 @!p0 $0x100000, s0;
	[bflag:$0x2] =	sbarrier.arrive $0xFFFF  }
0x49: {  	[sflag:s0] =	ssyncadd.tile.s32 @!p0 $0x1;
	_ =	shalt  }
.Lfunc_end2:
_tile_overlayer_lowered:
.L_overlay_start_2:
0x4a: {  	(tag) =	ssettag $0x2  }
0x4b: {  	s0 =	rddreg [dreg:$0x0];
	s2 =	stileid.u32  }
0x4c: {  	s1 =	rddreg [dreg:$0x1];
	p0 =	sne.s32 s2, $0x0  }
0x4d: {  	s3 =	rddreg [dreg:$0x2];
	[bflag:$0x3] =	sbarrier.arrive $0xFFFF;
	s2 =	simm.s32 @!p0 $0x1C01  }
0x4e: {  	[timem:s3], [sflag:s2] =	dma.local @!p0 [hbm:s0], s1  }
0x4f: {  	s0 =	simm.s32 @!p0 $0x1  }
0x50: {  	_ =	swait.ge @!p0 [sflag:s0], s1  }
0x51: {  	s1 =	ssub.s32 @!p0 $0x0, s1;
	[sflag:s0] =	ssyncset.done @!p0 $0x0  }
0x52: {  	[sflag:s0] =	ssyncadd.s32 @!p0 s1  }
0x53: {  	[bflag:$0x3] =	sbarrier.arrive $0xFFFF  }
0x54: {  	_ =	shalt  }

// kernel: kernel.4.cloned.1.call-start
scs
__scs_entry_jumppad:
0x0: {  	(pc) =	sbr.rel $0x88, $3  }
0x1: {  	(tag) =	ssettag $0x0;
	lr =	simm.s32 $0x1  }
0x2: {  	[smem:$0x3F81] =	sst lr;
	_ =	strace $0xD0000000  }
0x3: {  	_ = 	snop  }
0x4: {  	_ = 	snop  }
0x5: {  	_ = 	snop  }
0x6: {  	_ = 	snop  }
0x7: {  	_ = 	snop  }
__scs_overlays_trampoline_lowered:
0x8: {  	[smem:$0x3F90] =	sst s0  }
0x9: {  	[smem:$0x3F91] =	sst s1  }
0xa: {  	[smem:$0x3F92] =	sst s2  }
0xb: {  	[smem:$0x3F93] =	sst s3  }
0xc: {  	[smem:$0x3F94] =	sst s4  }
0xd: {  	[smem:$0x3F95] =	sst s5  }
0xe: {  	[smem:$0x3F96] =	sst s6  }
0xf: {  	[smem:$0x3F97] =	sst s7  }
0x10: {  	[smem:$0x3F98] =	sst s8  }
0x11: {  	[smem:$0x3F99] =	sst s9;
	s0 =	simm.s32 @!p0 $0x0  }
0x12: {  	s1 =	sld [smem:$0x3F7F];
	s0 =	simm.s32 @p0 $0x1  }
0x13: {  	[smem:$0x3F9A] =	sst s0;
	s0 =	simm.s32 @!p1 $0x0  }
0x14: {  	s2 =	sld [smem:$0x3F7E];
	s0 =	simm.s32 @p1 $0x1  }
0x15: {  	[smem:$0x3F9B] =	sst s0;
	s0 =	simm.s32 @!p2 $0x0  }
0x16: {  	s3 =	sld [smem:$0x3FDB];
	s0 =	simm.s32 @p2 $0x1  }
0x17: {  	s4 =	simm.s32 $0x1BF5;
	[smem:$0x3F9D] =	sst s0  }
0x18: {  	s0 =	sld [smem:$0x3F80];
	_ =	swait.ge [sflag:s4], $0x0  }
0x19: {  	s7 =	sld [smem:$0x3F81]  }
0x1a: {  	s8 =	sadd.s32 $0xFFFFE003, lr  }
0x1b: {  	s9 =	sadd.s32 $0xFFFFFEF7, lr;
	s5 =	simm.s32 $0xFFFFFFFF;
	p2 =	slt.u32 s8, $0xFFFFF086  }
0x1c: {  	p1 =	slt.u32 s9, $0xF7A;
	s5 =	simm.s32 @!p2 $0x0  }
0x1d: {  	s5 =	simm.s32 @p1 $0x1;
	p0 =	seq.s32 s7, s2  }
0x1e: {  	s7 =	smul.u32 @!p0 $0xF7A, s2;
	p2 =	seq.s32 @!p0 s5, $0x0  }
0x1f: {  	s9 =	smul.u32 $0xF7A, s1;
	s8 =	simm.s32 @!p0 $0x1BF5;
	p2 =	por !p2, p0  }
0x20: {  	[sflag:s8] =	ssyncset.s32 @!p0 $0xFFFFF086;
	s6 =	sadd.s32 @!p0 s3, s7;
	s7 =	simm.s32 @!p0 $0x108  }
0x21: {  	s3 =	sadd.s32 s3, s9;
	s6 =	sadd.s32 @!p0 $0x88, s6;
	s7 =	simm.s32 @p2 $0x1082  }
0x22: {  	[simem:s7], [sflag:s8] =	dma.local @!p0 [hbm:s6], $0xF7A  }
0x23: {  	s9 =	sor.u32 $0xD0000000, s2;
	s6 =	simm.s32 $0x108;
	_ =	swait.ge @!p0 [sflag:s8], $0x0  }
0x24: {  	s3 =	sadd.s32 $0x88, s3;
	s6 =	simm.s32 @!p1 $0x1082;
	[sflag:s4] =	ssyncset.s32 $0xFFFFF086  }
0x25: {  	[simem:s6], [sflag:s4] =	dma.local [hbm:s3], $0xF7A  }
0x26: {  	[smem:$0x3F81] =	sst s1;
	(tag) =	ssettag s2;
	_ =	strace s9  }
0x27: {  	s1 =	sld [smem:$0x3F91]  }
0x28: {  	s2 =	sld [smem:$0x3F92]  }
0x29: {  	s4 =	sld [smem:$0x3F94]  }
0x2a: {  	p0 =	seq.s32 s5, $0x0;
	s5 =	sld [smem:$0x3F95]  }
0x2b: {  	s6 =	sld [smem:$0x3F96]  }
0x2c: {  	s7 =	sld [smem:$0x3F97]  }
0x2d: {  	s3 =	simm.s32 $0x108;
	s8 =	sld [smem:$0x3F98]  }
0x2e: {  	s3 =	simm.s32 @!p0 $0x1082;
	s9 =	sld [smem:$0x3F99]  }
0x2f: {  	lr =	sadd.s32 s0, s3;
	s0 =	sld [smem:$0x3F90]  }
0x30: {  	s3 =	sld [smem:$0x3F93]  }
0x31: {  	[smem:$0x3F9C] =	sst s10  }
0x32: {  	s10 =	sld [smem:$0x3F9A];
	_ =	sdelay $0x3  }
0x33: {  	p0 =	seq.s32 s10, $0x1;
	s10 =	sld [smem:$0x3F9C];
	_ =	sdelay $0x3  }
0x34: {  	[smem:$0x3F9C] =	sst s10  }
0x35: {  	s10 =	sld [smem:$0x3F9B];
	_ =	sdelay $0x3  }
0x36: {  	p1 =	seq.s32 s10, $0x1;
	s10 =	sld [smem:$0x3F9C];
	_ =	sdelay $0x3  }
0x37: {  	[smem:$0x3F9C] =	sst s10  }
0x38: {  	s10 =	sld [smem:$0x3F9D]  }
0x39: {  	_ = 	snop;
	(pc) =	sbr.ind lr, $3  }
0x3a: {  	_ = 	snop  }
0x3b: {  	_ = 	snop  }
0x3c: {  	p2 =	seq.s32 s10, $0x1;
	s10 =	sld [smem:$0x3F9C]  }
0x3d: {  	_ =	shalt  }
0x3e: {  	_ =	shalt  }
0x3f: {  	_ =	shalt  }
0x40: {  	_ =	shalt  }
0x41: {  	_ =	shalt  }
0x42: {  	_ =	shalt  }
0x43: {  	_ =	shalt  }
0x44: {  	_ =	shalt  }
0x45: {  	_ =	shalt  }
0x46: {  	_ =	shalt  }
0x47: {  	_ =	shalt  }
0x48: {  	_ =	shalt  }
0x49: {  	_ =	shalt  }
0x4a: {  	_ =	shalt  }
0x4b: {  	_ =	shalt  }
0x4c: {  	_ =	shalt  }
0x4d: {  	_ =	shalt  }
0x4e: {  	_ =	shalt  }
0x4f: {  	_ =	shalt  }
0x50: {  	_ =	shalt  }
0x51: {  	_ =	shalt  }
0x52: {  	_ =	shalt  }
0x53: {  	_ =	shalt  }
0x54: {  	_ =	shalt  }
0x55: {  	_ =	shalt  }
0x56: {  	_ =	shalt  }
0x57: {  	_ =	shalt  }
0x58: {  	_ =	shalt  }
0x59: {  	_ =	shalt  }
0x5a: {  	_ =	shalt  }
0x5b: {  	_ =	shalt  }
0x5c: {  	_ =	shalt  }
0x5d: {  	_ =	shalt  }
0x5e: {  	_ =	shalt  }
0x5f: {  	_ =	shalt  }
0x60: {  	_ =	shalt  }
0x61: {  	_ =	shalt  }
0x62: {  	_ =	shalt  }
0x63: {  	_ =	shalt  }
0x64: {  	_ =	shalt  }
0x65: {  	_ =	shalt  }
0x66: {  	_ =	shalt  }
0x67: {  	_ =	shalt  }
0x68: {  	_ =	shalt  }
0x69: {  	_ =	shalt  }
0x6a: {  	_ =	shalt  }
0x6b: {  	_ =	shalt  }
0x6c: {  	_ =	shalt  }
0x6d: {  	_ =	shalt  }
0x6e: {  	_ =	shalt  }
0x6f: {  	_ =	shalt  }
0x70: {  	_ =	shalt  }
0x71: {  	_ =	shalt  }
0x72: {  	_ =	shalt  }
0x73: {  	_ =	shalt  }
0x74: {  	_ =	shalt  }
0x75: {  	_ =	shalt  }
0x76: {  	_ =	shalt  }
0x77: {  	_ =	shalt  }
0x78: {  	_ =	shalt  }
0x79: {  	_ =	shalt  }
0x7a: {  	_ =	shalt  }
0x7b: {  	_ =	shalt  }
0x7c: {  	_ =	shalt  }
0x7d: {  	_ =	shalt  }
0x7e: {  	_ =	shalt  }
0x7f: {  	_ =	shalt  }
0x80: {  	_ =	shalt  }
0x81: {  	_ =	shalt  }
0x82: {  	_ =	shalt  }
0x83: {  	_ =	shalt  }
0x84: {  	_ =	shalt  }
0x85: {  	_ =	shalt  }
0x86: {  	_ =	shalt  }
0x87: {  	_ =	shalt  }
.Lfunc_end0:
.L_simem_size_0:
called_computation.1_lowered:
.L_overlay_start_0:
0x88: {  	s2 =	sld [smem:$0x3FD9]  }
0x89: {  	s3 =	sld [smem:$0x3FFE];
	_ =	sdelay $0x1  }
0x8a: {  	s1 =	srdreg.scid  }
0x8b: {  	s0 =	sand.u32 $0x1, s1  }
0x8c: {  	s14 =	sshll.u32 s0, $0xA;
	s2 =	sadd.s32 s3, s2  }
0x8d: {  	s2 =	sadd.s32 s2, s14  }
0x8e: {  	[smem:$0x3FA8] =	sst s2  }
0x8f: {  	_ = 	snop  }
0x90: {  	s2 =	sld [smem:$0x3FD0];
	_ =	sdelay $0x1  }
0x91: {  	s15 =	sld [smem:$0x3FB2]  }
0x92: {  	s5 =	simm.s32 $0xA;
	s6 =	simm.s32 $0x10;
	s4 =	sld [smem:$0x3FB1]  }
0x93: {  	[smem:s6], [sflag:s5] =	dma.local [hbm:s2], $0x1  }
0x94: {  	_ =	swait.eq [sflag:s5], $0x1  }
0x95: {  	s16 =	sld [smem:$0x10]  }
0x96: {  	s17 =	sld [smem:$0x12];
	[sflag:s5] =	ssyncset.done $0x0  }
0x97: {  	s7 =	sld [smem:$0x13];
	[sflag:s5] =	ssyncadd.s32 $0xFFFFFFFF  }
0x98: {  	s18 =	sld [smem:$0x14];
	(tm) =	ssettm $0x1  }
0x99: {  	s8 =	sld [smem:$0x3FFB];
	_ =	sdelay $0x3  }
0x9a: {  	_ =	strace s8  }
0x9b: {  	s8 =	sld [smem:$0x3FFC];
	_ =	sdelay $0x3  }
0x9c: {  	_ =	strace s8  }
0x9d: {  	s8 =	sld [smem:$0x3FFD];
	_ =	sdelay $0x3  }
0x9e: {  	_ =	strace s8  }
0x9f: {  	_ =	strace $0x8FFFFFFF  }
0xa0: {  	s19 =	sld [smem:$0x3FDB];
	_ =	sdelay $0x1  }
0xa1: {  	s9 =	simm.s32 $_scs_section_size  }
0xa2: {  	s10 =	simm.s32 $_size__tile_overlayer_lowered;
	s11 =	simm.s32 $_tile_overlayer_lowered  }
0xa3: {  	s22 =	simm.s32 $0x1BFF;
	s21 =	sshll.u32 s11, $0x1;
	s8 =	sadd.s32 s9, s19  }
0xa4: {  	s12 =	simm.s32 $0x0;
	s20 =	sshll.u32 s10, $0x1;
	s10 =	sadd.s32 s21, s8  }
0xa5: {  	[timem:s12], [sflag:s22] =	dma.local [hbm:s10], s20  }
0xa6: {  	_ =	swait.ge [sflag:s22], s20  }
0xa7: {  	s9 =	ssub.s32 $0x0, s20;
	[sflag:s22] =	ssyncset.done $0x0  }
0xa8: {  	[sflag:s22] =	ssyncadd.s32 s9;
	_ =	sdelay $0x1  }
0xa9: {  	s23 =	simm.s32 $0x1B8B  }
0xaa: {  	_ =	swait.ge [sflag:s23], $0x1  }
0xab: {  	[sflag:s23] =	ssyncset.done $0x0  }
0xac: {  	s25 =	simm.s32 $0x1B8E;
	s24 =	sld [smem:$0x3FFE];
	[sflag:s23] =	ssyncadd.s32 $0xFFFFFFFF  }
0xad: {  	s26 =	simm.s32 $execute0_lowered;
	[smem:$0x3FD2] =	sst s25  }
0xae: {  	s10 =	sshll.u32 s26, $0x1;
	_ =	strace $0x80000049;
	[dreg:$0x1] =	wrdreg $0xFFFFFFFF  }
0xaf: {  	s28 =	simm.s32 $_size_execute0_lowered;
	s8 =	sadd.s32 s8, s10;
	[dreg:$0x0] =	wrdreg $0x0  }
0xb0: {  	s10 =	sshll.u32 s28, $0x1;
	[dreg:$0x2] =	wrdreg s8  }
0xb1: {  	[dreg:$0x3] =	wrdreg s10  }
0xb2: {  	[dreg:$0x4] =	wrdreg $0xC0  }
0xb3: {  	_ =	task [dreg:s12], $0x5FFFF  }
0xb4: {  	[dreg:$0x1] =	wrdreg $0xFFFFFFFF  }
0xb5: {  	[dreg:$0x0] =	wrdreg $0x60  }
0xb6: {  	[dreg:$0x2] =	wrdreg s15  }
0xb7: {  	[dreg:$0x3] =	wrdreg s4  }
0xb8: {  	[dreg:$0x4] =	wrdreg s24  }
0xb9: {  	[dreg:$0x5] =	wrdreg s17  }
0xba: {  	[dreg:$0x6] =	wrdreg s7  }
0xbb: {  	[dreg:$0x7] =	wrdreg s18  }
0xbc: {  	[dreg:$0x8] =	wrdreg s16  }
0xbd: {  	[dreg:$0x9] =	wrdreg $0x9  }
0xbe: {  	_ =	task.clear_ibuf [dreg:s12], $0xAFFFF;
	_ =	strace $0x90000049  }
0xbf: {  	s29 =	simm.s32 $0x9;
	_ =	strace $0x8000004B  }
0xc0: {  	_ =	swait.ge [sflag:s29], $0x1  }
0xc1: {  	[sflag:s29] =	ssyncadd.s32 $0xFFFFFFFF  }
0xc2: {  	_ =	strace $0x9000004B  }
0xc3: {  	_ =	sfence  }
0xc4: {  	s30 =	sld [smem:$0x0];
	_ =	sdelay $0x2  }
0xc5: {  	s31 =	sshll.u32 s1, $0xD;
	s1 =	sshrl.u32 s1, $0x2  }
0xc6: {  	s3 =	sand.u32 $0x4000, s31;
	s1 =	sadd.s32 s1, s30  }
0xc7: {  	s0 =	sor.u32 s3, s0;
	s1 =	sshll.u32 s1, $0x11  }
0xc8: {  	s0 =	sor.u32 s1, s0  }
0xc9: {  	s0 =	sadd.s32 $0x8F2B, s0  }
0xca: {  	[sflag:s0] =	ssyncadd.remote.s32 $0x1  }
0xcb: {  	_ =	sfence.sel $0xFFFF  }
0xcc: {  	[dreg:$0x0] =	wrdreg $0xFFFFFFFF;
	(pc) =	sbr.abs _section_cstart, $3  }
0xcd: {  	[dreg:$0x1] =	wrdreg $0xFFFFFFFF  }
0xce: {  	_ =	task.clear_ibuf [dreg:s12], $0x2FFFF;
	_ =	strace $0x9FFFFFFF  }
0xcf: {  	(tm) =	ssettm $0x7FFFFFFF  }
tec
execute0_lowered:
.L_overlay_start_1:
0x0: {  	(tag) =	ssettag $0x1  }
0x1: {  	s0 =	rddreg [dreg:$0x0]  }
0x2: {  	s2 =	rddreg [dreg:$0x2]  }
0x3: {  	s3 =	rddreg [dreg:$0x3]  }
0x4: {  	s5 =	rddreg [dreg:$0x4]  }
0x5: {  	s6 =	rddreg [dreg:$0x5];
	s4 =	srdreg.scid  }
0x6: {  	s1 =	stileid.u32;
	s7 =	rddreg [dreg:$0x6];
	s23 =	simm.s32 $0x180  }
0x7: {  	s24 =	simm.s32 $0xC300;
	s25 =	simm.s32 $0x280;
	s26 =	simm.s32 $0x14300  }
0x8: {  	s28 =	simm.s32 $0x80;
	s31 =	simm.s32 $0x1;
	s13 =	simm.s32 $0xB00  }
0x9: {  	s14 =	simm.s32 $0x1300;
	s8 =	sand.u32 $0x1, s4;
	s4 =	simm.s32 $0x0  }
0xa: {  	s29 =	simm.s32 $0x7B00;
	s30 =	simm.s32 $0x8300;
	[smem:$0x7FF] =	sst s4  }
0xb: {  	s9 =	sshll.u32 s1, $0x1;
	_ =	strace $0x8000004A;
	[dreg:$0xe] =	wrdreg s23  }
0xc: {  	s9 =	sor.u32 s8, s9;
	s8 =	ssub.s32 $0x2, s8;
	[dreg:$0xf] =	wrdreg s24  }
0xd: {  	s10 =	sshll.u32 s9, $0xC;
	s11 =	sshll.u32 s9, $0x5;
	[dreg:$0x10] =	wrdreg s25  }
0xe: {  	s12 =	sshrl.u32 s8, $0x1;
	s17 =	sshll.u32 s9, $0xD;
	[dreg:$0x11] =	wrdreg s26  }
0xf: {  	s23 =	simm.s32 $0x5B00;
	s24 =	simm.s32 $0x6300;
	s25 =	simm.s32 $0x6B00  }
0x10: {  	s26 =	simm.s32 $0x7300;
	s10 =	sadd.s32 s10, s2;
	s3 =	sadd.s32 s3, s11  }
0x11: {  	s15 =	sadd.s32 s5, s11;
	s16 =	sadd.s32 s6, s11;
	s19 =	sadd.s32 s7, s17  }
0x12: {  	s21 =	ssub.s32 s8, s12;
	s6 =	sadd.s32 $0x80400, s2;
	s8 =	simm.s32 $0x4  }
0x13: {  	s11 =	simm.s32 $0x300;
	s2 =	simm.s32 $0x3;
	[dreg:$0x8] =	wrdreg s3  }
0x14: {  	s12 =	simm.s32 $0x100;
	s5 =	simm.s32 $0x200;
	[dreg:$0x9] =	wrdreg s15  }
0x15: {  	s17 =	simm.s32 $0x2B00;
	[dreg:$0xa] =	wrdreg s16;
	s18 =	sadd.s32 $0x82400, s10  }
0x16: {  	s20 =	sadd.s32 $0xA2400, s10;
	[dreg:$0x12] =	wrdreg s19;
	s22 =	sadd.s32 $0x1000, s19  }
0x17: {  	s7 =	smax.u32 s21, $0x1;
	s3 =	simm.s32 $0x2;
	[dreg:$0xb] =	wrdreg s18  }
0x18: {  	v2 =	vlaneseq.u32;
	s15 =	simm.s32 $0x1B00;
	s16 =	simm.s32 $0x2300;
	[dreg:$0xc] =	wrdreg s20  }
0x19: {  	vm0 =	vmmov $0xffff;
	v1 =	vshrl.u32 v2, $0x3;
	s19 =	simm.s32 $0x3B00;
	s21 =	simm.s32 $0x4B00;
	[dreg:$0xd] =	wrdreg s22  }
0x1a: {  	v0 =	vand.u32 $0x7, v2;
	v2 =	vor.u32 $0x8, v2;
	v1 =	vmul.u32 $0x8, v1;
	s18 =	simm.s32 $0x3300;
	s20 =	simm.s32 $0x4300;
	s22 =	simm.s32 $0x5300  }
.LBB2_1:
0x1b: {  	s1 =	rddreg [dreg:$0x8]  }
0x1c: {  	[tilespmem:s4], [sflag:$0x4] =	stream.linear.gather [hbm4b:s1+s4], $0x100, $0x38;
	[tilespmem:$0x18300] =	vst v63  }
0x1d: {  	_ =	swait.ge [sflag:s8], $0x100  }
0x1e: {  	[sflag:s8] =	ssyncset.done $0x0  }
0x1f: {  	s9 =	rddreg [dreg:$0x9];
	[sflag:s8] =	ssyncadd.s32 $0xFFFFFF00  }
0x20: {  	[tilespmem:s12], [sflag:$0x4] =	stream.linear.gather [hbm4b:s9+s4], $0x100, $0x38;
	[tilespmem:$0x18300] =	vst v63  }
0x21: {  	_ =	swait.ge [sflag:s8], $0x100  }
0x22: {  	[sflag:s8] =	ssyncset.done $0x0  }
0x23: {  	s10 =	rddreg [dreg:$0xa];
	[sflag:s8] =	ssyncadd.s32 $0xFFFFFF00  }
0x24: {  	[tilespmem:s5], [sflag:$0x4] =	stream.linear.gather [hbm4b:s10+s4], $0x100, $0x38;
	[tilespmem:$0x18300] =	vst v63  }
0x25: {  	_ =	swait.ge [sflag:s8], $0x100  }
0x26: {  	[sflag:s8] =	ssyncset.done $0x0  }
0x27: {  	[sflag:s8] =	ssyncadd.s32 $0xFFFFFF00  }
0x28: {  	v3 =	vld [tilespmem:$0x0];
	_ =	sdelay $0x4  }
0x29: {  	v4 =	vshll.u32 v3, $0x1  }
0x2a: {  	v3 =	vand.u32 $0x7, v3;
	v4 =	vand.u32 $0xFFFFFFF0, v4  }
0x2b: {  	v3 =	vor.u32 v3, v4  }
0x2c: {  	v4 =	vperm.xlane v3, v0;
	_ =	sdelay $0x1  }
0x2d: {  	v3 =	vperm.xlane v3, v2;
	v4 =	vadd.s32 v1, v4;
	_ =	sdelay $0x1  }
0x2e: {  	v3 =	vadd.s32 v1, v3;
	_ =	sdelay $0x2  }
0x2f: {  	[tilespmem:s11], [sflag:$0x1] =	stream.indirect_vreg.gather [hbm4b:s0+s4], $0x80, v4, vm0, $0xb8;
	[tilespmem:$0x18300] =	vst v63  }
0x30: {  	_ = 	snop  }
0x31: {  	[tilespmem:s13], [sflag:$0x1] =	stream.indirect_vreg.gather [hbm4b:s0+s4], $0x80, v3, vm0, $0xb8;
	[tilespmem:$0x18300] =	vst v63  }
0x32: {  	v3 =	vld [tilespmem:$0x10];
	_ =	sdelay $0x4  }
0x33: {  	v49 =	vshll.u32 v3, $0x1  }
0x34: {  	v3 =	vand.u32 $0x7, v3;
	v4 =	vand.u32 $0xFFFFFFF0, v49  }
0x35: {  	v3 =	vor.u32 v3, v4  }
0x36: {  	v4 =	vperm.xlane v3, v0;
	_ =	sdelay $0x1  }
0x37: {  	v3 =	vperm.xlane v3, v2;
	v4 =	vadd.s32 v1, v4;
	_ =	sdelay $0x1  }
0x38: {  	v3 =	vadd.s32 v1, v3;
	_ =	sdelay $0x2  }
0x39: {  	[tilespmem:s14], [sflag:$0x1] =	stream.indirect_vreg.gather [hbm4b:s0+s4], $0x80, v4, vm0, $0xb8;
	[tilespmem:$0x18300] =	vst v63  }
0x3a: {  	_ = 	snop  }
0x3b: {  	[tilespmem:s15], [sflag:$0x1] =	stream.indirect_vreg.gather [hbm4b:s0+s4], $0x80, v3, vm0, $0xb8;
	[tilespmem:$0x18300] =	vst v63  }
0x3c: {  	v3 =	vld [tilespmem:$0x20];
	_ =	sdelay $0x4  }
0x3d: {  	v50 =	vshll.u32 v3, $0x1  }
0x3e: {  	v3 =	vand.u32 $0x7, v3;
	v4 =	vand.u32 $0xFFFFFFF0, v50  }
0x3f: {  	v3 =	vor.u32 v3, v4  }
0x40: {  	v4 =	vperm.xlane v3, v0;
	_ =	sdelay $0x1  }
0x41: {  	v3 =	vperm.xlane v3, v2;
	v4 =	vadd.s32 v1, v4;
	_ =	sdelay $0x1  }
0x42: {  	v3 =	vadd.s32 v1, v3;
	_ =	sdelay $0x2  }
0x43: {  	[tilespmem:s16], [sflag:$0x1] =	stream.indirect_vreg.gather [hbm4b:s0+s4], $0x80, v4, vm0, $0xb8;
	[tilespmem:$0x18300] =	vst v63  }
0x44: {  	_ = 	snop  }
0x45: {  	[tilespmem:s17], [sflag:$0x1] =	stream.indirect_vreg.gather [hbm4b:s0+s4], $0x80, v3, vm0, $0xb8;
	[tilespmem:$0x18300] =	vst v63  }
0x46: {  	v3 =	vld [tilespmem:$0x30];
	_ =	sdelay $0x4  }
0x47: {  	v51 =	vshll.u32 v3, $0x1  }
0x48: {  	v3 =	vand.u32 $0x7, v3;
	v4 =	vand.u32 $0xFFFFFFF0, v51  }
0x49: {  	v3 =	vor.u32 v3, v4  }
0x4a: {  	v4 =	vperm.xlane v3, v0;
	_ =	sdelay $0x1  }
0x4b: {  	v3 =	vperm.xlane v3, v2;
	v4 =	vadd.s32 v1, v4;
	_ =	sdelay $0x1  }
0x4c: {  	v3 =	vadd.s32 v1, v3;
	_ =	sdelay $0x2  }
0x4d: {  	[tilespmem:s18], [sflag:$0x1] =	stream.indirect_vreg.gather [hbm4b:s0+s4], $0x80, v4, vm0, $0xb8;
	[tilespmem:$0x18300] =	vst v63  }
0x4e: {  	_ = 	snop  }
0x4f: {  	[tilespmem:s19], [sflag:$0x1] =	stream.indirect_vreg.gather [hbm4b:s0+s4], $0x80, v3, vm0, $0xb8;
	[tilespmem:$0x18300] =	vst v63  }
0x50: {  	v3 =	vld [tilespmem:$0x40];
	_ =	sdelay $0x4  }
0x51: {  	v52 =	vshll.u32 v3, $0x1  }
0x52: {  	v3 =	vand.u32 $0x7, v3;
	v4 =	vand.u32 $0xFFFFFFF0, v52  }
0x53: {  	v3 =	vor.u32 v3, v4  }
0x54: {  	v4 =	vperm.xlane v3, v0;
	_ =	sdelay $0x1  }
0x55: {  	v3 =	vperm.xlane v3, v2;
	v4 =	vadd.s32 v1, v4;
	_ =	sdelay $0x1  }
0x56: {  	v3 =	vadd.s32 v1, v3;
	_ =	sdelay $0x2  }
0x57: {  	[tilespmem:s20], [sflag:$0x1] =	stream.indirect_vreg.gather [hbm4b:s0+s4], $0x80, v4, vm0, $0xb8;
	[tilespmem:$0x18300] =	vst v63  }
0x58: {  	_ = 	snop  }
0x59: {  	[tilespmem:s21], [sflag:$0x1] =	stream.indirect_vreg.gather [hbm4b:s0+s4], $0x80, v3, vm0, $0xb8;
	[tilespmem:$0x18300] =	vst v63  }
0x5a: {  	v3 =	vld [tilespmem:$0x50];
	_ =	sdelay $0x4  }
0x5b: {  	v53 =	vshll.u32 v3, $0x1  }
0x5c: {  	v3 =	vand.u32 $0x7, v3;
	v4 =	vand.u32 $0xFFFFFFF0, v53  }
0x5d: {  	v3 =	vor.u32 v3, v4  }
0x5e: {  	v4 =	vperm.xlane v3, v0;
	_ =	sdelay $0x1  }
0x5f: {  	v3 =	vperm.xlane v3, v2;
	v4 =	vadd.s32 v1, v4;
	_ =	sdelay $0x1  }
0x60: {  	v3 =	vadd.s32 v1, v3;
	_ =	sdelay $0x2  }
0x61: {  	[tilespmem:s22], [sflag:$0x1] =	stream.indirect_vreg.gather [hbm4b:s0+s4], $0x80, v4, vm0, $0xb8;
	[tilespmem:$0x18300] =	vst v63  }
0x62: {  	_ = 	snop  }
0x63: {  	[tilespmem:s23], [sflag:$0x1] =	stream.indirect_vreg.gather [hbm4b:s0+s4], $0x80, v3, vm0, $0xb8;
	[tilespmem:$0x18300] =	vst v63  }
0x64: {  	v3 =	vld [tilespmem:$0x60];
	_ =	sdelay $0x4  }
0x65: {  	v54 =	vshll.u32 v3, $0x1  }
0x66: {  	v3 =	vand.u32 $0x7, v3;
	v4 =	vand.u32 $0xFFFFFFF0, v54  }
0x67: {  	v3 =	vor.u32 v3, v4  }
0x68: {  	v4 =	vperm.xlane v3, v0;
	_ =	sdelay $0x1  }
0x69: {  	v3 =	vperm.xlane v3, v2;
	v4 =	vadd.s32 v1, v4;
	_ =	sdelay $0x1  }
0x6a: {  	v3 =	vadd.s32 v1, v3;
	_ =	sdelay $0x2  }
0x6b: {  	[tilespmem:s24], [sflag:$0x1] =	stream.indirect_vreg.gather [hbm4b:s0+s4], $0x80, v4, vm0, $0xb8;
	[tilespmem:$0x18300] =	vst v63  }
0x6c: {  	_ = 	snop  }
0x6d: {  	[tilespmem:s25], [sflag:$0x1] =	stream.indirect_vreg.gather [hbm4b:s0+s4], $0x80, v3, vm0, $0xb8;
	[tilespmem:$0x18300] =	vst v63  }
0x6e: {  	v3 =	vld [tilespmem:$0x70];
	_ =	sdelay $0x4  }
0x6f: {  	v55 =	vshll.u32 v3, $0x1  }
0x70: {  	v3 =	vand.u32 $0x7, v3;
	v4 =	vand.u32 $0xFFFFFFF0, v55  }
0x71: {  	v3 =	vor.u32 v3, v4  }
0x72: {  	v4 =	vperm.xlane v3, v0;
	_ =	sdelay $0x1  }
0x73: {  	v3 =	vperm.xlane v3, v2;
	v4 =	vadd.s32 v1, v4;
	_ =	sdelay $0x1  }
0x74: {  	v3 =	vadd.s32 v1, v3;
	_ =	sdelay $0x2  }
0x75: {  	[tilespmem:s26], [sflag:$0x1] =	stream.indirect_vreg.gather [hbm4b:s0+s4], $0x80, v4, vm0, $0xb8;
	[tilespmem:$0x18300] =	vst v63  }
0x76: {  	s1 =	rddreg [dreg:$0xe]  }
0x77: {  	[tilespmem:s29], [sflag:$0x1] =	stream.indirect_vreg.gather [hbm4b:s0+s4], $0x80, v3, vm0, $0xb8;
	[tilespmem:$0x18300] =	vst v63  }
0x78: {  	s10 =	rddreg [dreg:$0x1]  }
0x79: {  	[tilespmem:s30], [sflag:$0x2] =	stream.indirect.gather [hbm4b:s10+s28], $0x80, s12, s28, $0xb8;
	[tilespmem:$0x18300] =	vst v63  }
0x7a: {  	s9 =	rddreg [dreg:$0xf]  }
0x7b: {  	[tilespmem:s9], [sflag:$0x2] =	stream.indirect.gather [hbm4b:s10+s28], $0x80, s1, s28, $0xb8;
	[tilespmem:$0x18300] =	vst v63  }
0x7c: {  	s1 =	rddreg [dreg:$0x10];
	s10 =	simm.s32 $0x10300  }
0x7d: {  	[tilespmem:s10], [sflag:$0x3] =	stream.indirect.gather [hbm4b:s6+s28], $0x80, s5, s28, $0xb8;
	[tilespmem:$0x18300] =	vst v63  }
0x7e: {  	s9 =	rddreg [dreg:$0x11]  }
0x7f: {  	[tilespmem:s9], [sflag:$0x3] =	stream.indirect.gather [hbm4b:s6+s28], $0x80, s1, s28, $0xb8;
	[tilespmem:$0x18300] =	vst v63  }
0x80: {  	_ =	swait.ge [sflag:s31], $0x8000  }
0x81: {  	[sflag:s31] =	ssyncset.done $0x0  }
0x82: {  	s9 =	rddreg [dreg:$0x12];
	[sflag:s31] =	ssyncadd.s32 $0xFFFF8000  }
0x83: {  	[hbm4b:s9+s4] =	stream.linear.scatter [tilespmem:s11], [sflag:$0x4], $0x8000, $0x38;
	[tilespmem:$0x18300] =	vst v63  }
0x84: {  	_ =	swait.ge [sflag:s8], $0x8000  }
0x85: {  	[sflag:s8] =	ssyncset.done $0x0  }
0x86: {  	[sflag:s8] =	ssyncadd.s32 $0xFFFF8000  }
0x87: {  	v3 =	vld [tilespmem:$0x80];
	_ =	sdelay $0x4  }
0x88: {  	v56 =	vshll.u32 v3, $0x1  }
0x89: {  	v3 =	vand.u32 $0x7, v3;
	v4 =	vand.u32 $0xFFFFFFF0, v56  }
0x8a: {  	v3 =	vor.u32 v3, v4  }
0x8b: {  	v4 =	vperm.xlane v3, v0;
	_ =	sdelay $0x1  }
0x8c: {  	v3 =	vperm.xlane v3, v2;
	v4 =	vadd.s32 v1, v4;
	_ =	sdelay $0x1  }
0x8d: {  	v3 =	vadd.s32 v1, v3;
	_ =	sdelay $0x2  }
0x8e: {  	[tilespmem:s11], [sflag:$0x1] =	stream.indirect_vreg.gather [hbm4b:s0+s4], $0x80, v4, vm0, $0xb8;
	[tilespmem:$0x18300] =	vst v63  }
0x8f: {  	_ = 	snop  }
0x90: {  	[tilespmem:s13], [sflag:$0x1] =	stream.indirect_vreg.gather [hbm4b:s0+s4], $0x80, v3, vm0, $0xb8;
	[tilespmem:$0x18300] =	vst v63  }
0x91: {  	v3 =	vld [tilespmem:$0x90];
	_ =	sdelay $0x4  }
0x92: {  	v57 =	vshll.u32 v3, $0x1  }
0x93: {  	v3 =	vand.u32 $0x7, v3;
	v4 =	vand.u32 $0xFFFFFFF0, v57  }
0x94: {  	v3 =	vor.u32 v3, v4  }
0x95: {  	v4 =	vperm.xlane v3, v0;
	_ =	sdelay $0x1  }
0x96: {  	v3 =	vperm.xlane v3, v2;
	v4 =	vadd.s32 v1, v4;
	_ =	sdelay $0x1  }
0x97: {  	v3 =	vadd.s32 v1, v3;
	_ =	sdelay $0x2  }
0x98: {  	[tilespmem:s14], [sflag:$0x1] =	stream.indirect_vreg.gather [hbm4b:s0+s4], $0x80, v4, vm0, $0xb8;
	[tilespmem:$0x18300] =	vst v63  }
0x99: {  	_ = 	snop  }
0x9a: {  	[tilespmem:s15], [sflag:$0x1] =	stream.indirect_vreg.gather [hbm4b:s0+s4], $0x80, v3, vm0, $0xb8;
	[tilespmem:$0x18300] =	vst v63  }
0x9b: {  	v3 =	vld [tilespmem:$0xA0];
	_ =	sdelay $0x4  }
0x9c: {  	v58 =	vshll.u32 v3, $0x1  }
0x9d: {  	v3 =	vand.u32 $0x7, v3;
	v4 =	vand.u32 $0xFFFFFFF0, v58  }
0x9e: {  	v3 =	vor.u32 v3, v4  }
0x9f: {  	v4 =	vperm.xlane v3, v0;
	_ =	sdelay $0x1  }
0xa0: {  	v3 =	vperm.xlane v3, v2;
	v4 =	vadd.s32 v1, v4;
	_ =	sdelay $0x1  }
0xa1: {  	v3 =	vadd.s32 v1, v3;
	_ =	sdelay $0x2  }
0xa2: {  	[tilespmem:s16], [sflag:$0x1] =	stream.indirect_vreg.gather [hbm4b:s0+s4], $0x80, v4, vm0, $0xb8;
	[tilespmem:$0x18300] =	vst v63  }
0xa3: {  	_ = 	snop  }
0xa4: {  	[tilespmem:s17], [sflag:$0x1] =	stream.indirect_vreg.gather [hbm4b:s0+s4], $0x80, v3, vm0, $0xb8;
	[tilespmem:$0x18300] =	vst v63  }
0xa5: {  	v3 =	vld [tilespmem:$0xB0];
	_ =	sdelay $0x4  }
0xa6: {  	v59 =	vshll.u32 v3, $0x1  }
0xa7: {  	v3 =	vand.u32 $0x7, v3;
	v4 =	vand.u32 $0xFFFFFFF0, v59  }
0xa8: {  	v3 =	vor.u32 v3, v4  }
0xa9: {  	v4 =	vperm.xlane v3, v0;
	_ =	sdelay $0x1  }
0xaa: {  	v3 =	vperm.xlane v3, v2;
	v4 =	vadd.s32 v1, v4;
	_ =	sdelay $0x1  }
0xab: {  	v3 =	vadd.s32 v1, v3;
	_ =	sdelay $0x2  }
0xac: {  	[tilespmem:s18], [sflag:$0x1] =	stream.indirect_vreg.gather [hbm4b:s0+s4], $0x80, v4, vm0, $0xb8;
	[tilespmem:$0x18300] =	vst v63  }
0xad: {  	_ = 	snop  }
0xae: {  	[tilespmem:s19], [sflag:$0x1] =	stream.indirect_vreg.gather [hbm4b:s0+s4], $0x80, v3, vm0, $0xb8;
	[tilespmem:$0x18300] =	vst v63  }
0xaf: {  	v3 =	vld [tilespmem:$0xC0];
	_ =	sdelay $0x4  }
0xb0: {  	v60 =	vshll.u32 v3, $0x1  }
0xb1: {  	v3 =	vand.u32 $0x7, v3;
	v4 =	vand.u32 $0xFFFFFFF0, v60  }
0xb2: {  	v3 =	vor.u32 v3, v4  }
0xb3: {  	v4 =	vperm.xlane v3, v0;
	_ =	sdelay $0x1  }
0xb4: {  	v3 =	vperm.xlane v3, v2;
	v4 =	vadd.s32 v1, v4;
	_ =	sdelay $0x1  }
0xb5: {  	v3 =	vadd.s32 v1, v3;
	_ =	sdelay $0x2  }
0xb6: {  	[tilespmem:s20], [sflag:$0x1] =	stream.indirect_vreg.gather [hbm4b:s0+s4], $0x80, v4, vm0, $0xb8;
	[tilespmem:$0x18300] =	vst v63  }
0xb7: {  	_ = 	snop  }
0xb8: {  	[tilespmem:s21], [sflag:$0x1] =	stream.indirect_vreg.gather [hbm4b:s0+s4], $0x80, v3, vm0, $0xb8;
	[tilespmem:$0x18300] =	vst v63  }
0xb9: {  	v3 =	vld [tilespmem:$0xD0];
	_ =	sdelay $0x4  }
0xba: {  	v61 =	vshll.u32 v3, $0x1  }
0xbb: {  	v3 =	vand.u32 $0x7, v3;
	v4 =	vand.u32 $0xFFFFFFF0, v61  }
0xbc: {  	v3 =	vor.u32 v3, v4  }
0xbd: {  	v4 =	vperm.xlane v3, v0;
	_ =	sdelay $0x1  }
0xbe: {  	v3 =	vperm.xlane v3, v2;
	v4 =	vadd.s32 v1, v4;
	_ =	sdelay $0x1  }
0xbf: {  	v3 =	vadd.s32 v1, v3;
	_ =	sdelay $0x2  }
0xc0: {  	[tilespmem:s22], [sflag:$0x1] =	stream.indirect_vreg.gather [hbm4b:s0+s4], $0x80, v4, vm0, $0xb8;
	[tilespmem:$0x18300] =	vst v63  }
0xc1: {  	_ = 	snop  }
0xc2: {  	[tilespmem:s23], [sflag:$0x1] =	stream.indirect_vreg.gather [hbm4b:s0+s4], $0x80, v3, vm0, $0xb8;
	[tilespmem:$0x18300] =	vst v63  }
0xc3: {  	v3 =	vld [tilespmem:$0xE0];
	_ =	sdelay $0x4  }
0xc4: {  	v62 =	vshll.u32 v3, $0x1  }
0xc5: {  	v3 =	vand.u32 $0x7, v3;
	v4 =	vand.u32 $0xFFFFFFF0, v62  }
0xc6: {  	v3 =	vor.u32 v3, v4  }
0xc7: {  	v4 =	vperm.xlane v3, v0;
	_ =	sdelay $0x1  }
0xc8: {  	v3 =	vperm.xlane v3, v2;
	v4 =	vadd.s32 v1, v4;
	_ =	sdelay $0x1  }
0xc9: {  	v3 =	vadd.s32 v1, v3;
	_ =	sdelay $0x2  }
0xca: {  	[tilespmem:s24], [sflag:$0x1] =	stream.indirect_vreg.gather [hbm4b:s0+s4], $0x80, v4, vm0, $0xb8;
	[tilespmem:$0x18300] =	vst v63  }
0xcb: {  	_ = 	snop  }
0xcc: {  	[tilespmem:s25], [sflag:$0x1] =	stream.indirect_vreg.gather [hbm4b:s0+s4], $0x80, v3, vm0, $0xb8;
	[tilespmem:$0x18300] =	vst v63  }
0xcd: {  	v3 =	vld [tilespmem:$0xF0];
	_ =	sdelay $0x4  }
0xce: {  	v63 =	vshll.u32 v3, $0x1  }
0xcf: {  	v3 =	vand.u32 $0x7, v3;
	v4 =	vand.u32 $0xFFFFFFF0, v63  }
0xd0: {  	v3 =	vor.u32 v3, v4  }
0xd1: {  	v4 =	vperm.xlane v3, v0;
	_ =	sdelay $0x1  }
0xd2: {  	v3 =	vperm.xlane v3, v2;
	v4 =	vadd.s32 v1, v4;
	_ =	sdelay $0x1  }
0xd3: {  	v3 =	vadd.s32 v1, v3;
	_ =	sdelay $0x2  }
0xd4: {  	[tilespmem:s26], [sflag:$0x1] =	stream.indirect_vreg.gather [hbm4b:s0+s4], $0x80, v4, vm0, $0xb8;
	[tilespmem:$0x18300] =	vst v63  }
0xd5: {  	_ = 	snop  }
0xd6: {  	[tilespmem:s29], [sflag:$0x1] =	stream.indirect_vreg.gather [hbm4b:s0+s4], $0x80, v3, vm0, $0xb8;
	[tilespmem:$0x18300] =	vst v63  }
0xd7: {  	_ =	swait.ge [sflag:s3], $0x4000  }
0xd8: {  	[sflag:s3] =	ssyncset.done $0x0  }
0xd9: {  	[sflag:s3] =	ssyncadd.s32 $0xFFFFC000  }
0xda: {  	_ =	swait.ge [sflag:s3], $0x4000  }
0xdb: {  	[sflag:s3] =	ssyncset.done $0x0  }
0xdc: {  	s9 =	rddreg [dreg:$0xb];
	[sflag:s3] =	ssyncadd.s32 $0xFFFFC000  }
0xdd: {  	[hbm4b:s9+s4] =	stream.linear.scatter [tilespmem:s30], [sflag:$0x4], $0x8000, $0x38;
	[tilespmem:$0x18300] =	vst v63  }
0xde: {  	_ =	swait.ge [sflag:s8], $0x8000  }
0xdf: {  	[sflag:s8] =	ssyncset.done $0x0  }
0xe0: {  	[sflag:s8] =	ssyncadd.s32 $0xFFFF8000  }
0xe1: {  	_ =	swait.ge [sflag:s2], $0x4000  }
0xe2: {  	[sflag:s2] =	ssyncset.done $0x0  }
0xe3: {  	[sflag:s2] =	ssyncadd.s32 $0xFFFFC000  }
0xe4: {  	_ =	swait.ge [sflag:s2], $0x4000  }
0xe5: {  	[sflag:s2] =	ssyncset.done $0x0  }
0xe6: {  	s9 =	rddreg [dreg:$0xc];
	[sflag:s2] =	ssyncadd.s32 $0xFFFFC000  }
0xe7: {  	[hbm4b:s9+s4] =	stream.linear.scatter [tilespmem:s10], [sflag:$0x4], $0x8000, $0x38;
	[tilespmem:$0x18300] =	vst v63  }
0xe8: {  	_ =	swait.ge [sflag:s8], $0x8000  }
0xe9: {  	[sflag:s8] =	ssyncset.done $0x0  }
0xea: {  	[sflag:s8] =	ssyncadd.s32 $0xFFFF8000  }
0xeb: {  	_ =	swait.ge [sflag:s31], $0x8000  }
0xec: {  	p0 =	sne.s32 s7, $0x1;
	[sflag:s31] =	ssyncset.done $0x0  }
.Ltmp0:
0xed: {  	s10 =	rddreg [dreg:$0xd];
	[sflag:s31] =	ssyncadd.s32 $0xFFFF8000;
	(pc) =	sbr.rel @p0 .LBB2_1-.Ltmp0, $4  }
0xee: {  	[hbm4b:s10+s4] =	stream.linear.scatter [tilespmem:s11], [sflag:$0x4], $0x8000, $0x38;
	[tilespmem:$0x18300] =	vst v63  }
0xef: {  	_ =	swait.ge [sflag:s8], $0x8000  }
0xf0: {  	[sflag:s8] =	ssyncset.done $0x0  }
0xf1: {  	s7 =	sadd.s32 $0xFFFFFFFF, s7;
	[sflag:s8] =	ssyncadd.s32 $0xFFFF8000  }
0xf2: {  	_ =	sfence.sel $0x180000  }
0xf3: {  	[bflag:$0x0] =	sbarrier.arrive $0xFFFF  }
0xf4: {  	_ =	strace $0x9000004A  }
0xf5: {  	s0 =	stileid.u32;
	[bflag:$0x2] =	sbarrier.arrive $0xFFFF  }
0xf6: {  	p0 =	sne.s32 s0, $0x0;
	s0 =	rddreg [dreg:$0x7]  }
0xf7: {  	s0 =	sadd.s32 @!p0 $0x100000, s0  }
0xf8: {  	[sflag:s0] =	ssyncadd.tile.s32 @!p0 $0x1;
	_ =	shalt  }
.Lfunc_end2:
_tile_overlayer_lowered:
.L_overlay_start_2:
0xf9: {  	(tag) =	ssettag $0x2  }
0xfa: {  	s0 =	rddreg [dreg:$0x0];
	s2 =	stileid.u32  }
0xfb: {  	s1 =	rddreg [dreg:$0x1];
	p0 =	sne.s32 s2, $0x0  }
0xfc: {  	s3 =	rddreg [dreg:$0x2];
	[bflag:$0x3] =	sbarrier.arrive $0xFFFF;
	s2 =	simm.s32 @!p0 $0x1C04  }
0xfd: {  	[timem:s3], [sflag:s2] =	dma.local @!p0 [hbm:s0], s1  }
0xfe: {  	s0 =	simm.s32 @!p0 $0x4  }
0xff: {  	_ =	swait.ge @!p0 [sflag:s0], s1  }
0x100: {  	s1 =	ssub.s32 @!p0 $0x0, s1;
	[sflag:s0] =	ssyncset.done @!p0 $0x0  }
0x101: {  	[sflag:s0] =	ssyncadd.s32 @!p0 s1  }
0x102: {  	[bflag:$0x3] =	sbarrier.arrive $0xFFFF  }
0x103: {  	_ =	shalt  }

</sc_bundles>
